<compile_context>
chip_gen: v7x
topology: tpu7x:2x2x1
jax: 0.10.2.dev20260603
libtpu: 0.0.44.dev20260713+nightly
codegen_flags: <defaults>
</compile_context>

<pallas_src>
import functools

import jax
import jax.numpy as jnp
from jax import lax
from jax.experimental import pallas as pl
from jax.experimental.pallas import tpu as pltpu
from jax.experimental.pallas import tpu_sc as plsc

N_NODES = 10000
N_EDGES = 320000
D_NODE = 128
D_EDGE = 16

FOLD = 8
EROWS = N_EDGES // FOLD
PROJ_BLOCK = 800
MLP_BLOCK = 2000

NC = 2
NS = 16
CH = 80
EPC = N_EDGES // NC
EPT = EPC // NS
NCH = EPT // CH
N_PAD = 10240
ROWS_PT = N_PAD // NS


def _proj_body(eat_ref, w_ref, b_ref, out_ref):
    out_ref[...] = (
        lax.dot_general(eat_ref[...], w_ref[...],
                        dimension_numbers=(((0,), (0,)), ((), ())),
                        preferred_element_type=jnp.float32)
        + b_ref[...]
    )


def _mlp_body(x_ref, p_ref, w1_ref, b1_ref, w2_ref, b2_ref, out_ref):
    h = x_ref[...] + p_ref[0] + p_ref[1]
    h = jnp.maximum(
        jnp.dot(h, w1_ref[...], preferred_element_type=jnp.float32) + b1_ref[...],
        0.0,
    )
    out_ref[...] = (
        jnp.dot(h, w2_ref[...], preferred_element_type=jnp.float32) + b2_ref[...]
    )


def _sc_aggregate(x_hbm, src_hbm, dst_hbm, e_hbm, out_hbm,
                  src_v0, src_v1, dst_v0, dst_v1, e_v, xr_v, aggr_sh,
                  e_sem0, e_sem1, g_sem0, g_sem1, i_sem0, i_sem1):
    core = lax.axis_index("c")
    sub = lax.axis_index("s")
    src_vs = (src_v0, src_v1)
    dst_vs = (dst_v0, dst_v1)
    e_sems = (e_sem0, e_sem1)
    g_sems = (g_sem0, g_sem1)
    i_sems = (i_sem0, i_sem1)

    row0 = sub * ROWS_PT

    def zrow(r, c2):
        for j in range(D_NODE // 16):
            e_v[0, r, pl.ds(j * 16, 16)] = jnp.zeros((16,), jnp.float32)
        return c2

    lax.fori_loop(0, CH, zrow, 0)
    for b in range(ROWS_PT // CH):
        pltpu.sync_copy(e_v.at[0], aggr_sh.at[pl.ds(row0 + b * CH, CH)])
    plsc.subcore_barrier()

    base0 = core * EPC + sub * EPT

    def idx_load(ci, s):
        base = base0 + ci * CH
        pltpu.async_copy(src_hbm.at[pl.ds(base, CH)], src_vs[s], i_sems[s])
        pltpu.async_copy(dst_hbm.at[pl.ds(base, CH)], dst_vs[s], i_sems[s])

    def streams(ci, s):
        base = base0 + ci * CH
        pltpu.make_async_copy(src_hbm.at[pl.ds(base, CH)], src_vs[s],
                              i_sems[s]).wait()
        pltpu.make_async_copy(dst_hbm.at[pl.ds(base, CH)], dst_vs[s],
                              i_sems[s]).wait()
        pltpu.async_copy(e_hbm.at[pl.ds(base, CH)], e_v.at[s], e_sems[s])
        pltpu.async_copy(x_hbm.at[src_vs[s]], xr_v.at[s], g_sems[s])

    def process(ci, s):
        base = base0 + ci * CH
        pltpu.make_async_copy(e_hbm.at[pl.ds(base, CH)], e_v.at[s],
                              e_sems[s]).wait()
        pltpu.make_async_copy(x_hbm.at[src_vs[s]], xr_v.at[s],
                              g_sems[s]).wait()

        def row_body(r, c2):
            for j in range(D_NODE // 16):
                sl = pl.ds(j * 16, 16)
                e_v[s, r, sl] = jnp.maximum(e_v[s, r, sl] + xr_v[s, r, sl],
                                            0.0)
            return c2

        lax.fori_loop(0, CH, row_body, 0)
        pltpu.sync_copy(e_v.at[s], aggr_sh.at[dst_vs[s]], add=True)

    idx_load(0, 0)
    streams(0, 0)
    idx_load(1, 1)

    def pair_body(k2, c):
        i = 2 * k2
        streams(i + 1, 1)
        process(i, 0)
        idx_load(i + 2, 0)
        streams(i + 2, 0)
        process(i + 1, 1)
        idx_load(jnp.minimum(i + 3, NCH - 1), 1)
        return c

    lax.fori_loop(0, NCH // 2, pair_body, 0)
    process(NCH - 1, 0)
    pltpu.make_async_copy(src_hbm.at[pl.ds(base0, CH)], src_vs[1],
                          i_sems[1]).wait()
    pltpu.make_async_copy(dst_hbm.at[pl.ds(base0, CH)], dst_vs[1],
                          i_sems[1]).wait()
    plsc.subcore_barrier()

    pltpu.sync_copy(aggr_sh.at[pl.ds(row0, ROWS_PT)],
                    out_hbm.at[core, pl.ds(row0, ROWS_PT)])


def kernel(x, edge_index, edge_attr, We, be, W1, b1, W2, b2):
    ei = edge_index.astype(jnp.int32)

    eat = edge_attr.T
    e = pl.pallas_call(
        _proj_body,
        grid=(N_EDGES // 12800,),
        in_specs=[
            pl.BlockSpec((D_EDGE, 12800), lambda i: (0, i)),
            pl.BlockSpec((D_EDGE, D_NODE), lambda i: (0, 0)),
            pl.BlockSpec((1, D_NODE), lambda i: (0, 0)),
        ],
        out_specs=pl.BlockSpec((12800, D_NODE), lambda i: (i, 0)),
        out_shape=jax.ShapeDtypeStruct((N_EDGES, D_NODE), jnp.float32),
    )(eat, We, be.reshape(1, D_NODE))

    partials = pl.kernel(
        _sc_aggregate,
        mesh=plsc.VectorSubcoreMesh(core_axis_name="c", subcore_axis_name="s"),
        out_type=jax.ShapeDtypeStruct((NC, N_PAD, D_NODE), jnp.float32),
        scratch_types=[
            pltpu.VMEM((CH,), jnp.int32),
            pltpu.VMEM((CH,), jnp.int32),
            pltpu.VMEM((CH,), jnp.int32),
            pltpu.VMEM((CH,), jnp.int32),
            pltpu.VMEM((2, CH, D_NODE), jnp.float32),
            pltpu.VMEM((2, CH, D_NODE), jnp.float32),
            pltpu.VMEM_SHARED((N_PAD, D_NODE), jnp.float32),
            pltpu.SemaphoreType.DMA,
            pltpu.SemaphoreType.DMA,
            pltpu.SemaphoreType.DMA,
            pltpu.SemaphoreType.DMA,
            pltpu.SemaphoreType.DMA,
            pltpu.SemaphoreType.DMA,
        ],
    )(x, ei[0], ei[1], e)

    out = pl.pallas_call(
        _mlp_body,
        grid=(N_NODES // MLP_BLOCK,),
        in_specs=[
            pl.BlockSpec((MLP_BLOCK, D_NODE), lambda i: (i, 0)),
            pl.BlockSpec((NC, MLP_BLOCK, D_NODE), lambda i: (0, i, 0)),
            pl.BlockSpec((D_NODE, D_NODE), lambda i: (0, 0)),
            pl.BlockSpec((1, D_NODE), lambda i: (0, 0)),
            pl.BlockSpec((D_NODE, D_NODE), lambda i: (0, 0)),
            pl.BlockSpec((1, D_NODE), lambda i: (0, 0)),
        ],
        out_specs=pl.BlockSpec((MLP_BLOCK, D_NODE), lambda i: (i, 0)),
        out_shape=jax.ShapeDtypeStruct((N_NODES, D_NODE), jnp.float32),
    )(x, partials, W1, b1.reshape(1, D_NODE), W2, b2.reshape(1, D_NODE))
    return out

# --- scband reference (transcript-rebuilt; emitter-appended) ---
"""Pipeline reference for scband-edge-aggregator-gine-16595753632162 (READ-ONLY COPY).

The authoritative reference and input builder live on the scoring server;
editing this copy changes nothing except your own understanding.
"""

import jax, jax.numpy as jnp
import numpy as np

N_NODES = 10000
N_EDGES = 320000
D_NODE = 128
D_EDGE = 16


def setup_inputs(seed: int = 0) -> dict:
    key = jax.random.key(seed)
    ks = jax.random.split(key, 8)
    x = jax.random.normal(ks[0], (N_NODES, D_NODE), dtype=jnp.float32)
    edge_index = jax.random.randint(ks[1], (2, N_EDGES), 0, N_NODES, dtype=jnp.int64)
    edge_attr = jax.random.normal(ks[2], (N_EDGES, D_EDGE), dtype=jnp.float32)
    # Learned params: edge lin (edge_dim -> node_dim) as in GINEConv when edge_dim != out dim,
    # plus update MLP Linear(128,128) -> ReLU -> Linear(128,128)
    We = jax.random.normal(ks[3], (D_EDGE, D_NODE), dtype=jnp.float32) * (1.0 / np.sqrt(D_EDGE))
    be = jnp.zeros((D_NODE,), dtype=jnp.float32)
    W1 = jax.random.normal(ks[4], (D_NODE, D_NODE), dtype=jnp.float32) * (1.0 / np.sqrt(D_NODE))
    b1 = jnp.zeros((D_NODE,), dtype=jnp.float32)
    W2 = jax.random.normal(ks[5], (D_NODE, D_NODE), dtype=jnp.float32) * (1.0 / np.sqrt(D_NODE))
    b2 = jnp.zeros((D_NODE,), dtype=jnp.float32)
    return {"x": x, "edge_index": edge_index, "edge_attr": edge_attr,
            "We": We, "be": be, "W1": W1, "b1": b1, "W2": W2, "b2": b2}


def reference(x, edge_index, edge_attr, We, be, W1, b1, W2, b2):
    # GINEConv: message = ReLU(x_j + lin(edge_attr)); aggr = sum over incoming edges;
    # out = MLP((1 + eps) * x + aggr), eps = 0 (default, not trained)
    src = edge_index[0]
    dst = edge_index[1]
    e = edge_attr @ We + be                      # [E, D_NODE] edge projection
    msg = jax.nn.relu(x[src] + e)                # gather x_j + edge feature
    aggr = jax.ops.segment_sum(msg, dst, num_segments=N_NODES)  # scatter-add to dst nodes
    h = (1.0 + 0.0) * x + aggr
    h = jax.nn.relu(h @ W1 + b1)
    out = h @ W2 + b2
    return out

if __name__ == "__main__":
    import jax
    _d = setup_inputs()
    print(jax.jit(kernel)(*tuple(_d.values())))

</pallas_src>

<mosaic_0001>
#map = affine_map<(d0, d1) -> (0, 0)>
#map1 = affine_map<(d0, d1) -> (0)>
#map2 = affine_map<(d0, d1) -> (0, 0, 0)>
module attributes {stable_mosaic.version = 14 : i64} {
  func.func @_sc_aggregate(%arg0: i32, %arg1: i32, %arg2: memref<10000x128xf32, #tpu.memory_space<hbm>>, %arg3: memref<320000xi32, #tpu.memory_space<hbm>>, %arg4: memref<320000xi32, #tpu.memory_space<hbm>>, %arg5: memref<320000x128xf32, #tpu.memory_space<hbm>>, %arg6: memref<2x10240x128xf32, #tpu.memory_space<hbm>>, %arg7: memref<80xi32, #tpu.memory_space<vmem>>, %arg8: memref<80xi32, #tpu.memory_space<vmem>>, %arg9: memref<80xi32, #tpu.memory_space<vmem>>, %arg10: memref<80xi32, #tpu.memory_space<vmem>>, %arg11: memref<2x80x128xf32, #tpu.memory_space<vmem>>, %arg12: memref<2x80x128xf32, #tpu.memory_space<vmem>>, %arg13: memref<10240x128xf32, #tpu.memory_space<vmem_shared>>, %arg14: memref<!tpu.dma_semaphore, #tpu.memory_space<semaphore_mem>>, %arg15: memref<!tpu.dma_semaphore, #tpu.memory_space<semaphore_mem>>, %arg16: memref<!tpu.dma_semaphore, #tpu.memory_space<semaphore_mem>>, %arg17: memref<!tpu.dma_semaphore, #tpu.memory_space<semaphore_mem>>, %arg18: memref<!tpu.dma_semaphore, #tpu.memory_space<semaphore_mem>>, %arg19: memref<!tpu.dma_semaphore, #tpu.memory_space<semaphore_mem>>) attributes {dimension_semantics = [#tpu.dimension_semantics<core_parallel>, #tpu.dimension_semantics<subcore_parallel>], iteration_bounds = array<i64: 2, 16>, scalar_prefetch = 0 : i64, scratch_operands = 13 : i64, tpu.core_type = #tpu.core_type<sc_vector_subcore>, window_params = [{transform_indices = #map}, {transform_indices = #map1}, {transform_indices = #map1}, {transform_indices = #map}, {transform_indices = #map2}]} {
    %mul3A = arith.constant 640 : i32
    %mul3A_0 = arith.muli %arg1, %mul3A : i32
    %scan3A = arith.constant 0 : i32
    %scan3A_1 = arith.constant 0 : i32
    %scan3A_2 = arith.constant 80 : i32
    %scan3A_3 = arith.addi %scan3A_1, %scan3A_2 : i32
    %scan3A_4 = arith.constant 1 : i32
    scf.for %scan3A_111 = %scan3A_1 to %scan3A_3 step %scan3A_4  : i32 {
      %broadcast_in_dim3A = arith.constant 0.000000e+00 : f32
      %broadcast_in_dim3A_112 = vector.broadcast %broadcast_in_dim3A : f32 to vector<16xf32>
      %swap3A = arith.constant 0 : i32
      %swap3A_113 = arith.index_cast %swap3A : i32 to index
      %swap3A_114 = arith.index_cast %scan3A_111 : i32 to index
      %swap3A_115 = arith.constant 0 : index
      %swap3A_116 = tpu.vector_load %arg11[%swap3A_113, %swap3A_114, %swap3A_115] {strides = array<i32>} : memref<2x80x128xf32, #tpu.memory_space<vmem>>, vector<1x1x16xf32>,
      %swap3A_117 = vector.shape_cast %swap3A_116 : vector<1x1x16xf32> to vector<16xf32>
      %swap3A_118 = vector.shape_cast %broadcast_in_dim3A_112 : vector<16xf32> to vector<1x1x16xf32>
      tpu.vector_store %arg11[%swap3A_113, %swap3A_114, %swap3A_115], %swap3A_118 {strides = array<i32>} : memref<2x80x128xf32, #tpu.memory_space<vmem>>, vector<1x1x16xf32>,
      %broadcast_in_dim3A_119 = arith.constant 0.000000e+00 : f32
      %broadcast_in_dim3A_120 = vector.broadcast %broadcast_in_dim3A_119 : f32 to vector<16xf32>
      %swap3A_121 = arith.constant 0 : i32
      %swap3A_122 = arith.index_cast %swap3A_121 : i32 to index
      %swap3A_123 = arith.index_cast %scan3A_111 : i32 to index
      %swap3A_124 = arith.constant 16 : index
      %swap3A_125 = tpu.vector_load %arg11[%swap3A_122, %swap3A_123, %swap3A_124] {strides = array<i32>} : memref<2x80x128xf32, #tpu.memory_space<vmem>>, vector<1x1x16xf32>,
      %swap3A_126 = vector.shape_cast %swap3A_125 : vector<1x1x16xf32> to vector<16xf32>
      %swap3A_127 = vector.shape_cast %broadcast_in_dim3A_120 : vector<16xf32> to vector<1x1x16xf32>
      tpu.vector_store %arg11[%swap3A_122, %swap3A_123, %swap3A_124], %swap3A_127 {strides = array<i32>} : memref<2x80x128xf32, #tpu.memory_space<vmem>>, vector<1x1x16xf32>,
      %broadcast_in_dim3A_128 = arith.constant 0.000000e+00 : f32
      %broadcast_in_dim3A_129 = vector.broadcast %broadcast_in_dim3A_128 : f32 to vector<16xf32>
      %swap3A_130 = arith.constant 0 : i32
      %swap3A_131 = arith.index_cast %swap3A_130 : i32 to index
      %swap3A_132 = arith.index_cast %scan3A_111 : i32 to index
      %swap3A_133 = arith.constant 32 : index
      %swap3A_134 = tpu.vector_load %arg11[%swap3A_131, %swap3A_132, %swap3A_133] {strides = array<i32>} : memref<2x80x128xf32, #tpu.memory_space<vmem>>, vector<1x1x16xf32>,
      %swap3A_135 = vector.shape_cast %swap3A_134 : vector<1x1x16xf32> to vector<16xf32>
      %swap3A_136 = vector.shape_cast %broadcast_in_dim3A_129 : vector<16xf32> to vector<1x1x16xf32>
      tpu.vector_store %arg11[%swap3A_131, %swap3A_132, %swap3A_133], %swap3A_136 {strides = array<i32>} : memref<2x80x128xf32, #tpu.memory_space<vmem>>, vector<1x1x16xf32>,
      %broadcast_in_dim3A_137 = arith.constant 0.000000e+00 : f32
      %broadcast_in_dim3A_138 = vector.broadcast %broadcast_in_dim3A_137 : f32 to vector<16xf32>
      %swap3A_139 = arith.constant 0 : i32
      %swap3A_140 = arith.index_cast %swap3A_139 : i32 to index
      %swap3A_141 = arith.index_cast %scan3A_111 : i32 to index
      %swap3A_142 = arith.constant 48 : index
      %swap3A_143 = tpu.vector_load %arg11[%swap3A_140, %swap3A_141, %swap3A_142] {strides = array<i32>} : memref<2x80x128xf32, #tpu.memory_space<vmem>>, vector<1x1x16xf32>,
      %swap3A_144 = vector.shape_cast %swap3A_143 : vector<1x1x16xf32> to vector<16xf32>
      %swap3A_145 = vector.shape_cast %broadcast_in_dim3A_138 : vector<16xf32> to vector<1x1x16xf32>
      tpu.vector_store %arg11[%swap3A_140, %swap3A_141, %swap3A_142], %swap3A_145 {strides = array<i32>} : memref<2x80x128xf32, #tpu.memory_space<vmem>>, vector<1x1x16xf32>,
      %broadcast_in_dim3A_146 = arith.constant 0.000000e+00 : f32
      %broadcast_in_dim3A_147 = vector.broadcast %broadcast_in_dim3A_146 : f32 to vector<16xf32>
      %swap3A_148 = arith.constant 0 : i32
      %swap3A_149 = arith.index_cast %swap3A_148 : i32 to index
      %swap3A_150 = arith.index_cast %scan3A_111 : i32 to index
      %swap3A_151 = arith.constant 64 : index
      %swap3A_152 = tpu.vector_load %arg11[%swap3A_149, %swap3A_150, %swap3A_151] {strides = array<i32>} : memref<2x80x128xf32, #tpu.memory_space<vmem>>, vector<1x1x16xf32>,
      %swap3A_153 = vector.shape_cast %swap3A_152 : vector<1x1x16xf32> to vector<16xf32>
      %swap3A_154 = vector.shape_cast %broadcast_in_dim3A_147 : vector<16xf32> to vector<1x1x16xf32>
      tpu.vector_store %arg11[%swap3A_149, %swap3A_150, %swap3A_151], %swap3A_154 {strides = array<i32>} : memref<2x80x128xf32, #tpu.memory_space<vmem>>, vector<1x1x16xf32>,
      %broadcast_in_dim3A_155 = arith.constant 0.000000e+00 : f32
      %broadcast_in_dim3A_156 = vector.broadcast %broadcast_in_dim3A_155 : f32 to vector<16xf32>
      %swap3A_157 = arith.constant 0 : i32
      %swap3A_158 = arith.index_cast %swap3A_157 : i32 to index
      %swap3A_159 = arith.index_cast %scan3A_111 : i32 to index
      %swap3A_160 = arith.constant 80 : index
      %swap3A_161 = tpu.vector_load %arg11[%swap3A_158, %swap3A_159, %swap3A_160] {strides = array<i32>} : memref<2x80x128xf32, #tpu.memory_space<vmem>>, vector<1x1x16xf32>,
      %swap3A_162 = vector.shape_cast %swap3A_161 : vector<1x1x16xf32> to vector<16xf32>
      %swap3A_163 = vector.shape_cast %broadcast_in_dim3A_156 : vector<16xf32> to vector<1x1x16xf32>
      tpu.vector_store %arg11[%swap3A_158, %swap3A_159, %swap3A_160], %swap3A_163 {strides = array<i32>} : memref<2x80x128xf32, #tpu.memory_space<vmem>>, vector<1x1x16xf32>,
      %broadcast_in_dim3A_164 = arith.constant 0.000000e+00 : f32
      %broadcast_in_dim3A_165 = vector.broadcast %broadcast_in_dim3A_164 : f32 to vector<16xf32>
      %swap3A_166 = arith.constant 0 : i32
      %swap3A_167 = arith.index_cast %swap3A_166 : i32 to index
      %swap3A_168 = arith.index_cast %scan3A_111 : i32 to index
      %swap3A_169 = arith.constant 96 : index
      %swap3A_170 = tpu.vector_load %arg11[%swap3A_167, %swap3A_168, %swap3A_169] {strides = array<i32>} : memref<2x80x128xf32, #tpu.memory_space<vmem>>, vector<1x1x16xf32>,
      %swap3A_171 = vector.shape_cast %swap3A_170 : vector<1x1x16xf32> to vector<16xf32>
      %swap3A_172 = vector.shape_cast %broadcast_in_dim3A_165 : vector<16xf32> to vector<1x1x16xf32>
      tpu.vector_store %arg11[%swap3A_167, %swap3A_168, %swap3A_169], %swap3A_172 {strides = array<i32>} : memref<2x80x128xf32, #tpu.memory_space<vmem>>, vector<1x1x16xf32>,
      %broadcast_in_dim3A_173 = arith.constant 0.000000e+00 : f32
      %broadcast_in_dim3A_174 = vector.broadcast %broadcast_in_dim3A_173 : f32 to vector<16xf32>
      %swap3A_175 = arith.constant 0 : i32
      %swap3A_176 = arith.index_cast %swap3A_175 : i32 to index
      %swap3A_177 = arith.index_cast %scan3A_111 : i32 to index
      %swap3A_178 = arith.constant 112 : index
      %swap3A_179 = tpu.vector_load %arg11[%swap3A_176, %swap3A_177, %swap3A_178] {strides = array<i32>} : memref<2x80x128xf32, #tpu.memory_space<vmem>>, vector<1x1x16xf32>,
      %swap3A_180 = vector.shape_cast %swap3A_179 : vector<1x1x16xf32> to vector<16xf32>
      %swap3A_181 = vector.shape_cast %broadcast_in_dim3A_174 : vector<16xf32> to vector<1x1x16xf32>
      tpu.vector_store %arg11[%swap3A_176, %swap3A_177, %swap3A_178], %swap3A_181 {strides = array<i32>} : memref<2x80x128xf32, #tpu.memory_space<vmem>>, vector<1x1x16xf32>,
    }
    %scan3A_5 = arith.constant 80 : i32
    %add3A = arith.constant 0 : i32
    %add3A_6 = arith.addi %mul3A_0, %add3A : i32
    %run_scoped3A = arith.constant 0 : i32
    "tpu.region"() ({
      %run_scoped3A_111 = tpu.sem_alloc : memref<!tpu.dma_semaphore, #tpu.memory_space<semaphore_mem>>
      %dma_start3A_112 = arith.constant 0 : i32
      %dma_start3A_113 = arith.constant 0 : i32
      %dma_start3A_114 = tpu.memref_slice %arg11[%run_scoped3A, %dma_start3A_112, %dma_start3A_113] : memref<2x80x128xf32, #tpu.memory_space<vmem>> -> memref<1x80x128xf32, #tpu.memory_space<vmem>>
      %dma_start3A_115 = tpu.memref_squeeze %dma_start3A_114 : memref<1x80x128xf32, #tpu.memory_space<vmem>> -> memref<80x128xf32, #tpu.memory_space<vmem>>
      %dma_start3A_116 = arith.constant 0 : i32
      %dma_start3A_117 = tpu.memref_slice %arg13[%add3A_6, %dma_start3A_116] : memref<10240x128xf32, #tpu.memory_space<vmem_shared>> -> memref<80x128xf32, #tpu.memory_space<vmem_shared>>
      %dma_start3A_118 = arith.constant 0 : i32
      %dma_start3A_119 = tpu.memref_slice %arg13[%add3A_6, %dma_start3A_118] : memref<10240x128xf32, #tpu.memory_space<vmem_shared>> -> memref<80x128xf32, #tpu.memory_space<vmem_shared>>
      %dma_start3A_120 = arith.constant 0 : i32
      %dma_start3A_121 = arith.constant 0 : i32
      %dma_start3A_122 = tpu.memref_slice %arg11[%run_scoped3A, %dma_start3A_120, %dma_start3A_121] : memref<2x80x128xf32, #tpu.memory_space<vmem>> -> memref<1x80x128xf32, #tpu.memory_space<vmem>>
      %dma_start3A_123 = tpu.memref_squeeze %dma_start3A_122 : memref<1x80x128xf32, #tpu.memory_space<vmem>> -> memref<80x128xf32, #tpu.memory_space<vmem>>
      tpu.enqueue_dma source(%dma_start3A_123 : memref<80x128xf32, #tpu.memory_space<vmem>>) target(%dma_start3A_119 : memref<80x128xf32, #tpu.memory_space<vmem_shared>>) target_semaphore(%run_scoped3A_111 : memref<!tpu.dma_semaphore, #tpu.memory_space<semaphore_mem>>)
      %dma_wait3A_124 = arith.constant 0 : i32
      %dma_wait3A_125 = arith.constant 0 : i32
      %dma_wait3A_126 = tpu.memref_slice %arg11[%run_scoped3A, %dma_wait3A_124, %dma_wait3A_125] : memref<2x80x128xf32, #tpu.memory_space<vmem>> -> memref<1x80x128xf32, #tpu.memory_space<vmem>>
      %dma_wait3A_127 = tpu.memref_squeeze %dma_wait3A_126 : memref<1x80x128xf32, #tpu.memory_space<vmem>> -> memref<80x128xf32, #tpu.memory_space<vmem>>
      %dma_wait3A_128 = arith.constant 0 : i32
      %dma_wait3A_129 = tpu.memref_slice %arg13[%add3A_6, %dma_wait3A_128] : memref<10240x128xf32, #tpu.memory_space<vmem_shared>> -> memref<80x128xf32, #tpu.memory_space<vmem_shared>>
      %dma_wait3A_130 = arith.constant 0 : i32
      %dma_wait3A_131 = tpu.memref_slice %arg13[%add3A_6, %dma_wait3A_130] : memref<10240x128xf32, #tpu.memory_space<vmem_shared>> -> memref<80x128xf32, #tpu.memory_space<vmem_shared>>
      %dma_wait3A_132 = arith.constant 0 : i32
      %dma_wait3A_133 = arith.constant 0 : i32
      %dma_wait3A_134 = tpu.memref_slice %arg11[%run_scoped3A, %dma_wait3A_132, %dma_wait3A_133] : memref<2x80x128xf32, #tpu.memory_space<vmem>> -> memref<1x80x128xf32, #tpu.memory_space<vmem>>
      %dma_wait3A_135 = tpu.memref_squeeze %dma_wait3A_134 : memref<1x80x128xf32, #tpu.memory_space<vmem>> -> memref<80x128xf32, #tpu.memory_space<vmem>>
      tpu.wait_dma2 semaphore(%run_scoped3A_111 : memref<!tpu.dma_semaphore, #tpu.memory_space<semaphore_mem>>) src(%dma_wait3A_135 : memref<80x128xf32, #tpu.memory_space<vmem>>) dst(%dma_wait3A_131 : memref<80x128xf32, #tpu.memory_space<vmem_shared>>)
      tpu.yield
    }) : () -> ()
    %add3A_7 = arith.constant 80 : i32
    %add3A_8 = arith.addi %mul3A_0, %add3A_7 : i32
    %run_scoped3A_9 = arith.constant 0 : i32
    "tpu.region"() ({
      %run_scoped3A_111 = tpu.sem_alloc : memref<!tpu.dma_semaphore, #tpu.memory_space<semaphore_mem>>
      %dma_start3A_112 = arith.constant 0 : i32
      %dma_start3A_113 = arith.constant 0 : i32
      %dma_start3A_114 = tpu.memref_slice %arg11[%run_scoped3A_9, %dma_start3A_112, %dma_start3A_113] : memref<2x80x128xf32, #tpu.memory_space<vmem>> -> memref<1x80x128xf32, #tpu.memory_space<vmem>>
      %dma_start3A_115 = tpu.memref_squeeze %dma_start3A_114 : memref<1x80x128xf32, #tpu.memory_space<vmem>> -> memref<80x128xf32, #tpu.memory_space<vmem>>
      %dma_start3A_116 = arith.constant 0 : i32
      %dma_start3A_117 = tpu.memref_slice %arg13[%add3A_8, %dma_start3A_116] : memref<10240x128xf32, #tpu.memory_space<vmem_shared>> -> memref<80x128xf32, #tpu.memory_space<vmem_shared>>
      %dma_start3A_118 = arith.constant 0 : i32
      %dma_start3A_119 = tpu.memref_slice %arg13[%add3A_8, %dma_start3A_118] : memref<10240x128xf32, #tpu.memory_space<vmem_shared>> -> memref<80x128xf32, #tpu.memory_space<vmem_shared>>
      %dma_start3A_120 = arith.constant 0 : i32
      %dma_start3A_121 = arith.constant 0 : i32
      %dma_start3A_122 = tpu.memref_slice %arg11[%run_scoped3A_9, %dma_start3A_120, %dma_start3A_121] : memref<2x80x128xf32, #tpu.memory_space<vmem>> -> memref<1x80x128xf32, #tpu.memory_space<vmem>>
      %dma_start3A_123 = tpu.memref_squeeze %dma_start3A_122 : memref<1x80x128xf32, #tpu.memory_space<vmem>> -> memref<80x128xf32, #tpu.memory_space<vmem>>
      tpu.enqueue_dma source(%dma_start3A_123 : memref<80x128xf32, #tpu.memory_space<vmem>>) target(%dma_start3A_119 : memref<80x128xf32, #tpu.memory_space<vmem_shared>>) target_semaphore(%run_scoped3A_111 : memref<!tpu.dma_semaphore, #tpu.memory_space<semaphore_mem>>)
      %dma_wait3A_124 = arith.constant 0 : i32
      %dma_wait3A_125 = arith.constant 0 : i32
      %dma_wait3A_126 = tpu.memref_slice %arg11[%run_scoped3A_9, %dma_wait3A_124, %dma_wait3A_125] : memref<2x80x128xf32, #tpu.memory_space<vmem>> -> memref<1x80x128xf32, #tpu.memory_space<vmem>>
      %dma_wait3A_127 = tpu.memref_squeeze %dma_wait3A_126 : memref<1x80x128xf32, #tpu.memory_space<vmem>> -> memref<80x128xf32, #tpu.memory_space<vmem>>
      %dma_wait3A_128 = arith.constant 0 : i32
      %dma_wait3A_129 = tpu.memref_slice %arg13[%add3A_8, %dma_wait3A_128] : memref<10240x128xf32, #tpu.memory_space<vmem_shared>> -> memref<80x128xf32, #tpu.memory_space<vmem_shared>>
      %dma_wait3A_130 = arith.constant 0 : i32
      %dma_wait3A_131 = tpu.memref_slice %arg13[%add3A_8, %dma_wait3A_130] : memref<10240x128xf32, #tpu.memory_space<vmem_shared>> -> memref<80x128xf32, #tpu.memory_space<vmem_shared>>
      %dma_wait3A_132 = arith.constant 0 : i32
      %dma_wait3A_133 = arith.constant 0 : i32
      %dma_wait3A_134 = tpu.memref_slice %arg11[%run_scoped3A_9, %dma_wait3A_132, %dma_wait3A_133] : memref<2x80x128xf32, #tpu.memory_space<vmem>> -> memref<1x80x128xf32, #tpu.memory_space<vmem>>
      %dma_wait3A_135 = tpu.memref_squeeze %dma_wait3A_134 : memref<1x80x128xf32, #tpu.memory_space<vmem>> -> memref<80x128xf32, #tpu.memory_space<vmem>>
      tpu.wait_dma2 semaphore(%run_scoped3A_111 : memref<!tpu.dma_semaphore, #tpu.memory_space<semaphore_mem>>) src(%dma_wait3A_135 : memref<80x128xf32, #tpu.memory_space<vmem>>) dst(%dma_wait3A_131 : memref<80x128xf32, #tpu.memory_space<vmem_shared>>)
      tpu.yield
    }) : () -> ()
    %add3A_10 = arith.constant 160 : i32
    %add3A_11 = arith.addi %mul3A_0, %add3A_10 : i32
    %run_scoped3A_12 = arith.constant 0 : i32
    "tpu.region"() ({
      %run_scoped3A_111 = tpu.sem_alloc : memref<!tpu.dma_semaphore, #tpu.memory_space<semaphore_mem>>
      %dma_start3A_112 = arith.constant 0 : i32
      %dma_start3A_113 = arith.constant 0 : i32
      %dma_start3A_114 = tpu.memref_slice %arg11[%run_scoped3A_12, %dma_start3A_112, %dma_start3A_113] : memref<2x80x128xf32, #tpu.memory_space<vmem>> -> memref<1x80x128xf32, #tpu.memory_space<vmem>>
      %dma_start3A_115 = tpu.memref_squeeze %dma_start3A_114 : memref<1x80x128xf32, #tpu.memory_space<vmem>> -> memref<80x128xf32, #tpu.memory_space<vmem>>
      %dma_start3A_116 = arith.constant 0 : i32
      %dma_start3A_117 = tpu.memref_slice %arg13[%add3A_11, %dma_start3A_116] : memref<10240x128xf32, #tpu.memory_space<vmem_shared>> -> memref<80x128xf32, #tpu.memory_space<vmem_shared>>
      %dma_start3A_118 = arith.constant 0 : i32
      %dma_start3A_119 = tpu.memref_slice %arg13[%add3A_11, %dma_start3A_118] : memref<10240x128xf32, #tpu.memory_space<vmem_shared>> -> memref<80x128xf32, #tpu.memory_space<vmem_shared>>
      %dma_start3A_120 = arith.constant 0 : i32
      %dma_start3A_121 = arith.constant 0 : i32
      %dma_start3A_122 = tpu.memref_slice %arg11[%run_scoped3A_12, %dma_start3A_120, %dma_start3A_121] : memref<2x80x128xf32, #tpu.memory_space<vmem>> -> memref<1x80x128xf32, #tpu.memory_space<vmem>>
      %dma_start3A_123 = tpu.memref_squeeze %dma_start3A_122 : memref<1x80x128xf32, #tpu.memory_space<vmem>> -> memref<80x128xf32, #tpu.memory_space<vmem>>
      tpu.enqueue_dma source(%dma_start3A_123 : memref<80x128xf32, #tpu.memory_space<vmem>>) target(%dma_start3A_119 : memref<80x128xf32, #tpu.memory_space<vmem_shared>>) target_semaphore(%run_scoped3A_111 : memref<!tpu.dma_semaphore, #tpu.memory_space<semaphore_mem>>)
      %dma_wait3A_124 = arith.constant 0 : i32
      %dma_wait3A_125 = arith.constant 0 : i32
      %dma_wait3A_126 = tpu.memref_slice %arg11[%run_scoped3A_12, %dma_wait3A_124, %dma_wait3A_125] : memref<2x80x128xf32, #tpu.memory_space<vmem>> -> memref<1x80x128xf32, #tpu.memory_space<vmem>>
      %dma_wait3A_127 = tpu.memref_squeeze %dma_wait3A_126 : memref<1x80x128xf32, #tpu.memory_space<vmem>> -> memref<80x128xf32, #tpu.memory_space<vmem>>
      %dma_wait3A_128 = arith.constant 0 : i32
      %dma_wait3A_129 = tpu.memref_slice %arg13[%add3A_11, %dma_wait3A_128] : memref<10240x128xf32, #tpu.memory_space<vmem_shared>> -> memref<80x128xf32, #tpu.memory_space<vmem_shared>>
      %dma_wait3A_130 = arith.constant 0 : i32
      %dma_wait3A_131 = tpu.memref_slice %arg13[%add3A_11, %dma_wait3A_130] : memref<10240x128xf32, #tpu.memory_space<vmem_shared>> -> memref<80x128xf32, #tpu.memory_space<vmem_shared>>
      %dma_wait3A_132 = arith.constant 0 : i32
      %dma_wait3A_133 = arith.constant 0 : i32
      %dma_wait3A_134 = tpu.memref_slice %arg11[%run_scoped3A_12, %dma_wait3A_132, %dma_wait3A_133] : memref<2x80x128xf32, #tpu.memory_space<vmem>> -> memref<1x80x128xf32, #tpu.memory_space<vmem>>
      %dma_wait3A_135 = tpu.memref_squeeze %dma_wait3A_134 : memref<1x80x128xf32, #tpu.memory_space<vmem>> -> memref<80x128xf32, #tpu.memory_space<vmem>>
      tpu.wait_dma2 semaphore(%run_scoped3A_111 : memref<!tpu.dma_semaphore, #tpu.memory_space<semaphore_mem>>) src(%dma_wait3A_135 : memref<80x128xf32, #tpu.memory_space<vmem>>) dst(%dma_wait3A_131 : memref<80x128xf32, #tpu.memory_space<vmem_shared>>)
      tpu.yield
    }) : () -> ()
    %add3A_13 = arith.constant 240 : i32
    %add3A_14 = arith.addi %mul3A_0, %add3A_13 : i32
    %run_scoped3A_15 = arith.constant 0 : i32
    "tpu.region"() ({
      %run_scoped3A_111 = tpu.sem_alloc : memref<!tpu.dma_semaphore, #tpu.memory_space<semaphore_mem>>
      %dma_start3A_112 = arith.constant 0 : i32
      %dma_start3A_113 = arith.constant 0 : i32
      %dma_start3A_114 = tpu.memref_slice %arg11[%run_scoped3A_15, %dma_start3A_112, %dma_start3A_113] : memref<2x80x128xf32, #tpu.memory_space<vmem>> -> memref<1x80x128xf32, #tpu.memory_space<vmem>>
      %dma_start3A_115 = tpu.memref_squeeze %dma_start3A_114 : memref<1x80x128xf32, #tpu.memory_space<vmem>> -> memref<80x128xf32, #tpu.memory_space<vmem>>
      %dma_start3A_116 = arith.constant 0 : i32
      %dma_start3A_117 = tpu.memref_slice %arg13[%add3A_14, %dma_start3A_116] : memref<10240x128xf32, #tpu.memory_space<vmem_shared>> -> memref<80x128xf32, #tpu.memory_space<vmem_shared>>
      %dma_start3A_118 = arith.constant 0 : i32
      %dma_start3A_119 = tpu.memref_slice %arg13[%add3A_14, %dma_start3A_118] : memref<10240x128xf32, #tpu.memory_space<vmem_shared>> -> memref<80x128xf32, #tpu.memory_space<vmem_shared>>
      %dma_start3A_120 = arith.constant 0 : i32
      %dma_start3A_121 = arith.constant 0 : i32
      %dma_start3A_122 = tpu.memref_slice %arg11[%run_scoped3A_15, %dma_start3A_120, %dma_start3A_121] : memref<2x80x128xf32, #tpu.memory_space<vmem>> -> memref<1x80x128xf32, #tpu.memory_space<vmem>>
      %dma_start3A_123 = tpu.memref_squeeze %dma_start3A_122 : memref<1x80x128xf32, #tpu.memory_space<vmem>> -> memref<80x128xf32, #tpu.memory_space<vmem>>
      tpu.enqueue_dma source(%dma_start3A_123 : memref<80x128xf32, #tpu.memory_space<vmem>>) target(%dma_start3A_119 : memref<80x128xf32, #tpu.memory_space<vmem_shared>>) target_semaphore(%run_scoped3A_111 : memref<!tpu.dma_semaphore, #tpu.memory_space<semaphore_mem>>)
      %dma_wait3A_124 = arith.constant 0 : i32
      %dma_wait3A_125 = arith.constant 0 : i32
      %dma_wait3A_126 = tpu.memref_slice %arg11[%run_scoped3A_15, %dma_wait3A_124, %dma_wait3A_125] : memref<2x80x128xf32, #tpu.memory_space<vmem>> -> memref<1x80x128xf32, #tpu.memory_space<vmem>>
      %dma_wait3A_127 = tpu.memref_squeeze %dma_wait3A_126 : memref<1x80x128xf32, #tpu.memory_space<vmem>> -> memref<80x128xf32, #tpu.memory_space<vmem>>
      %dma_wait3A_128 = arith.constant 0 : i32
      %dma_wait3A_129 = tpu.memref_slice %arg13[%add3A_14, %dma_wait3A_128] : memref<10240x128xf32, #tpu.memory_space<vmem_shared>> -> memref<80x128xf32, #tpu.memory_space<vmem_shared>>
      %dma_wait3A_130 = arith.constant 0 : i32
      %dma_wait3A_131 = tpu.memref_slice %arg13[%add3A_14, %dma_wait3A_130] : memref<10240x128xf32, #tpu.memory_space<vmem_shared>> -> memref<80x128xf32, #tpu.memory_space<vmem_shared>>
      %dma_wait3A_132 = arith.constant 0 : i32
      %dma_wait3A_133 = arith.constant 0 : i32
      %dma_wait3A_134 = tpu.memref_slice %arg11[%run_scoped3A_15, %dma_wait3A_132, %dma_wait3A_133] : memref<2x80x128xf32, #tpu.memory_space<vmem>> -> memref<1x80x128xf32, #tpu.memory_space<vmem>>
      %dma_wait3A_135 = tpu.memref_squeeze %dma_wait3A_134 : memref<1x80x128xf32, #tpu.memory_space<vmem>> -> memref<80x128xf32, #tpu.memory_space<vmem>>
      tpu.wait_dma2 semaphore(%run_scoped3A_111 : memref<!tpu.dma_semaphore, #tpu.memory_space<semaphore_mem>>) src(%dma_wait3A_135 : memref<80x128xf32, #tpu.memory_space<vmem>>) dst(%dma_wait3A_131 : memref<80x128xf32, #tpu.memory_space<vmem_shared>>)
      tpu.yield
    }) : () -> ()
    %add3A_16 = arith.constant 320 : i32
    %add3A_17 = arith.addi %mul3A_0, %add3A_16 : i32
    %run_scoped3A_18 = arith.constant 0 : i32
    "tpu.region"() ({
      %run_scoped3A_111 = tpu.sem_alloc : memref<!tpu.dma_semaphore, #tpu.memory_space<semaphore_mem>>
      %dma_start3A_112 = arith.constant 0 : i32
      %dma_start3A_113 = arith.constant 0 : i32
      %dma_start3A_114 = tpu.memref_slice %arg11[%run_scoped3A_18, %dma_start3A_112, %dma_start3A_113] : memref<2x80x128xf32, #tpu.memory_space<vmem>> -> memref<1x80x128xf32, #tpu.memory_space<vmem>>
      %dma_start3A_115 = tpu.memref_squeeze %dma_start3A_114 : memref<1x80x128xf32, #tpu.memory_space<vmem>> -> memref<80x128xf32, #tpu.memory_space<vmem>>
      %dma_start3A_116 = arith.constant 0 : i32
      %dma_start3A_117 = tpu.memref_slice %arg13[%add3A_17, %dma_start3A_116] : memref<10240x128xf32, #tpu.memory_space<vmem_shared>> -> memref<80x128xf32, #tpu.memory_space<vmem_shared>>
      %dma_start3A_118 = arith.constant 0 : i32
      %dma_start3A_119 = tpu.memref_slice %arg13[%add3A_17, %dma_start3A_118] : memref<10240x128xf32, #tpu.memory_space<vmem_shared>> -> memref<80x128xf32, #tpu.memory_space<vmem_shared>>
      %dma_start3A_120 = arith.constant 0 : i32
      %dma_start3A_121 = arith.constant 0 : i32
      %dma_start3A_122 = tpu.memref_slice %arg11[%run_scoped3A_18, %dma_start3A_120, %dma_start3A_121] : memref<2x80x128xf32, #tpu.memory_space<vmem>> -> memref<1x80x128xf32, #tpu.memory_space<vmem>>
      %dma_start3A_123 = tpu.memref_squeeze %dma_start3A_122 : memref<1x80x128xf32, #tpu.memory_space<vmem>> -> memref<80x128xf32, #tpu.memory_space<vmem>>
      tpu.enqueue_dma source(%dma_start3A_123 : memref<80x128xf32, #tpu.memory_space<vmem>>) target(%dma_start3A_119 : memref<80x128xf32, #tpu.memory_space<vmem_shared>>) target_semaphore(%run_scoped3A_111 : memref<!tpu.dma_semaphore, #tpu.memory_space<semaphore_mem>>)
      %dma_wait3A_124 = arith.constant 0 : i32
      %dma_wait3A_125 = arith.constant 0 : i32
      %dma_wait3A_126 = tpu.memref_slice %arg11[%run_scoped3A_18, %dma_wait3A_124, %dma_wait3A_125] : memref<2x80x128xf32, #tpu.memory_space<vmem>> -> memref<1x80x128xf32, #tpu.memory_space<vmem>>
      %dma_wait3A_127 = tpu.memref_squeeze %dma_wait3A_126 : memref<1x80x128xf32, #tpu.memory_space<vmem>> -> memref<80x128xf32, #tpu.memory_space<vmem>>
      %dma_wait3A_128 = arith.constant 0 : i32
      %dma_wait3A_129 = tpu.memref_slice %arg13[%add3A_17, %dma_wait3A_128] : memref<10240x128xf32, #tpu.memory_space<vmem_shared>> -> memref<80x128xf32, #tpu.memory_space<vmem_shared>>
      %dma_wait3A_130 = arith.constant 0 : i32
      %dma_wait3A_131 = tpu.memref_slice %arg13[%add3A_17, %dma_wait3A_130] : memref<10240x128xf32, #tpu.memory_space<vmem_shared>> -> memref<80x128xf32, #tpu.memory_space<vmem_shared>>
      %dma_wait3A_132 = arith.constant 0 : i32
      %dma_wait3A_133 = arith.constant 0 : i32
      %dma_wait3A_134 = tpu.memref_slice %arg11[%run_scoped3A_18, %dma_wait3A_132, %dma_wait3A_133] : memref<2x80x128xf32, #tpu.memory_space<vmem>> -> memref<1x80x128xf32, #tpu.memory_space<vmem>>
      %dma_wait3A_135 = tpu.memref_squeeze %dma_wait3A_134 : memref<1x80x128xf32, #tpu.memory_space<vmem>> -> memref<80x128xf32, #tpu.memory_space<vmem>>
      tpu.wait_dma2 semaphore(%run_scoped3A_111 : memref<!tpu.dma_semaphore, #tpu.memory_space<semaphore_mem>>) src(%dma_wait3A_135 : memref<80x128xf32, #tpu.memory_space<vmem>>) dst(%dma_wait3A_131 : memref<80x128xf32, #tpu.memory_space<vmem_shared>>)
      tpu.yield
    }) : () -> ()
    %add3A_19 = arith.constant 400 : i32
    %add3A_20 = arith.addi %mul3A_0, %add3A_19 : i32
    %run_scoped3A_21 = arith.constant 0 : i32
    "tpu.region"() ({
      %run_scoped3A_111 = tpu.sem_alloc : memref<!tpu.dma_semaphore, #tpu.memory_space<semaphore_mem>>
      %dma_start3A_112 = arith.constant 0 : i32
      %dma_start3A_113 = arith.constant 0 : i32
      %dma_start3A_114 = tpu.memref_slice %arg11[%run_scoped3A_21, %dma_start3A_112, %dma_start3A_113] : memref<2x80x128xf32, #tpu.memory_space<vmem>> -> memref<1x80x128xf32, #tpu.memory_space<vmem>>
      %dma_start3A_115 = tpu.memref_squeeze %dma_start3A_114 : memref<1x80x128xf32, #tpu.memory_space<vmem>> -> memref<80x128xf32, #tpu.memory_space<vmem>>
      %dma_start3A_116 = arith.constant 0 : i32
      %dma_start3A_117 = tpu.memref_slice %arg13[%add3A_20, %dma_start3A_116] : memref<10240x128xf32, #tpu.memory_space<vmem_shared>> -> memref<80x128xf32, #tpu.memory_space<vmem_shared>>
      %dma_start3A_118 = arith.constant 0 : i32
      %dma_start3A_119 = tpu.memref_slice %arg13[%add3A_20, %dma_start3A_118] : memref<10240x128xf32, #tpu.memory_space<vmem_shared>> -> memref<80x128xf32, #tpu.memory_space<vmem_shared>>
      %dma_start3A_120 = arith.constant 0 : i32
      %dma_start3A_121 = arith.constant 0 : i32
      %dma_start3A_122 = tpu.memref_slice %arg11[%run_scoped3A_21, %dma_start3A_120, %dma_start3A_121] : memref<2x80x128xf32, #tpu.memory_space<vmem>> -> memref<1x80x128xf32, #tpu.memory_space<vmem>>
      %dma_start3A_123 = tpu.memref_squeeze %dma_start3A_122 : memref<1x80x128xf32, #tpu.memory_space<vmem>> -> memref<80x128xf32, #tpu.memory_space<vmem>>
      tpu.enqueue_dma source(%dma_start3A_123 : memref<80x128xf32, #tpu.memory_space<vmem>>) target(%dma_start3A_119 : memref<80x128xf32, #tpu.memory_space<vmem_shared>>) target_semaphore(%run_scoped3A_111 : memref<!tpu.dma_semaphore, #tpu.memory_space<semaphore_mem>>)
      %dma_wait3A_124 = arith.constant 0 : i32
      %dma_wait3A_125 = arith.constant 0 : i32
      %dma_wait3A_126 = tpu.memref_slice %arg11[%run_scoped3A_21, %dma_wait3A_124, %dma_wait3A_125] : memref<2x80x128xf32, #tpu.memory_space<vmem>> -> memref<1x80x128xf32, #tpu.memory_space<vmem>>
      %dma_wait3A_127 = tpu.memref_squeeze %dma_wait3A_126 : memref<1x80x128xf32, #tpu.memory_space<vmem>> -> memref<80x128xf32, #tpu.memory_space<vmem>>
      %dma_wait3A_128 = arith.constant 0 : i32
      %dma_wait3A_129 = tpu.memref_slice %arg13[%add3A_20, %dma_wait3A_128] : memref<10240x128xf32, #tpu.memory_space<vmem_shared>> -> memref<80x128xf32, #tpu.memory_space<vmem_shared>>
      %dma_wait3A_130 = arith.constant 0 : i32
      %dma_wait3A_131 = tpu.memref_slice %arg13[%add3A_20, %dma_wait3A_130] : memref<10240x128xf32, #tpu.memory_space<vmem_shared>> -> memref<80x128xf32, #tpu.memory_space<vmem_shared>>
      %dma_wait3A_132 = arith.constant 0 : i32
      %dma_wait3A_133 = arith.constant 0 : i32
      %dma_wait3A_134 = tpu.memref_slice %arg11[%run_scoped3A_21, %dma_wait3A_132, %dma_wait3A_133] : memref<2x80x128xf32, #tpu.memory_space<vmem>> -> memref<1x80x128xf32, #tpu.memory_space<vmem>>
      %dma_wait3A_135 = tpu.memref_squeeze %dma_wait3A_134 : memref<1x80x128xf32, #tpu.memory_space<vmem>> -> memref<80x128xf32, #tpu.memory_space<vmem>>
      tpu.wait_dma2 semaphore(%run_scoped3A_111 : memref<!tpu.dma_semaphore, #tpu.memory_space<semaphore_mem>>) src(%dma_wait3A_135 : memref<80x128xf32, #tpu.memory_space<vmem>>) dst(%dma_wait3A_131 : memref<80x128xf32, #tpu.memory_space<vmem_shared>>)
      tpu.yield
    }) : () -> ()
    %add3A_22 = arith.constant 480 : i32
    %add3A_23 = arith.addi %mul3A_0, %add3A_22 : i32
    %run_scoped3A_24 = arith.constant 0 : i32
    "tpu.region"() ({
      %run_scoped3A_111 = tpu.sem_alloc : memref<!tpu.dma_semaphore, #tpu.memory_space<semaphore_mem>>
      %dma_start3A_112 = arith.constant 0 : i32
      %dma_start3A_113 = arith.constant 0 : i32
      %dma_start3A_114 = tpu.memref_slice %arg11[%run_scoped3A_24, %dma_start3A_112, %dma_start3A_113] : memref<2x80x128xf32, #tpu.memory_space<vmem>> -> memref<1x80x128xf32, #tpu.memory_space<vmem>>
      %dma_start3A_115 = tpu.memref_squeeze %dma_start3A_114 : memref<1x80x128xf32, #tpu.memory_space<vmem>> -> memref<80x128xf32, #tpu.memory_space<vmem>>
      %dma_start3A_116 = arith.constant 0 : i32
      %dma_start3A_117 = tpu.memref_slice %arg13[%add3A_23, %dma_start3A_116] : memref<10240x128xf32, #tpu.memory_space<vmem_shared>> -> memref<80x128xf32, #tpu.memory_space<vmem_shared>>
      %dma_start3A_118 = arith.constant 0 : i32
      %dma_start3A_119 = tpu.memref_slice %arg13[%add3A_23, %dma_start3A_118] : memref<10240x128xf32, #tpu.memory_space<vmem_shared>> -> memref<80x128xf32, #tpu.memory_space<vmem_shared>>
      %dma_start3A_120 = arith.constant 0 : i32
      %dma_start3A_121 = arith.constant 0 : i32
      %dma_start3A_122 = tpu.memref_slice %arg11[%run_scoped3A_24, %dma_start3A_120, %dma_start3A_121] : memref<2x80x128xf32, #tpu.memory_space<vmem>> -> memref<1x80x128xf32, #tpu.memory_space<vmem>>
      %dma_start3A_123 = tpu.memref_squeeze %dma_start3A_122 : memref<1x80x128xf32, #tpu.memory_space<vmem>> -> memref<80x128xf32, #tpu.memory_space<vmem>>
      tpu.enqueue_dma source(%dma_start3A_123 : memref<80x128xf32, #tpu.memory_space<vmem>>) target(%dma_start3A_119 : memref<80x128xf32, #tpu.memory_space<vmem_shared>>) target_semaphore(%run_scoped3A_111 : memref<!tpu.dma_semaphore, #tpu.memory_space<semaphore_mem>>)
      %dma_wait3A_124 = arith.constant 0 : i32
      %dma_wait3A_125 = arith.constant 0 : i32
      %dma_wait3A_126 = tpu.memref_slice %arg11[%run_scoped3A_24, %dma_wait3A_124, %dma_wait3A_125] : memref<2x80x128xf32, #tpu.memory_space<vmem>> -> memref<1x80x128xf32, #tpu.memory_space<vmem>>
      %dma_wait3A_127 = tpu.memref_squeeze %dma_wait3A_126 : memref<1x80x128xf32, #tpu.memory_space<vmem>> -> memref<80x128xf32, #tpu.memory_space<vmem>>
      %dma_wait3A_128 = arith.constant 0 : i32
      %dma_wait3A_129 = tpu.memref_slice %arg13[%add3A_23, %dma_wait3A_128] : memref<10240x128xf32, #tpu.memory_space<vmem_shared>> -> memref<80x128xf32, #tpu.memory_space<vmem_shared>>
      %dma_wait3A_130 = arith.constant 0 : i32
      %dma_wait3A_131 = tpu.memref_slice %arg13[%add3A_23, %dma_wait3A_130] : memref<10240x128xf32, #tpu.memory_space<vmem_shared>> -> memref<80x128xf32, #tpu.memory_space<vmem_shared>>
      %dma_wait3A_132 = arith.constant 0 : i32
      %dma_wait3A_133 = arith.constant 0 : i32
      %dma_wait3A_134 = tpu.memref_slice %arg11[%run_scoped3A_24, %dma_wait3A_132, %dma_wait3A_133] : memref<2x80x128xf32, #tpu.memory_space<vmem>> -> memref<1x80x128xf32, #tpu.memory_space<vmem>>
      %dma_wait3A_135 = tpu.memref_squeeze %dma_wait3A_134 : memref<1x80x128xf32, #tpu.memory_space<vmem>> -> memref<80x128xf32, #tpu.memory_space<vmem>>
      tpu.wait_dma2 semaphore(%run_scoped3A_111 : memref<!tpu.dma_semaphore, #tpu.memory_space<semaphore_mem>>) src(%dma_wait3A_135 : memref<80x128xf32, #tpu.memory_space<vmem>>) dst(%dma_wait3A_131 : memref<80x128xf32, #tpu.memory_space<vmem_shared>>)
      tpu.yield
    }) : () -> ()
    %add3A_25 = arith.constant 560 : i32
    %add3A_26 = arith.addi %mul3A_0, %add3A_25 : i32
    %run_scoped3A_27 = arith.constant 0 : i32
    "tpu.region"() ({
      %run_scoped3A_111 = tpu.sem_alloc : memref<!tpu.dma_semaphore, #tpu.memory_space<semaphore_mem>>
      %dma_start3A_112 = arith.constant 0 : i32
      %dma_start3A_113 = arith.constant 0 : i32
      %dma_start3A_114 = tpu.memref_slice %arg11[%run_scoped3A_27, %dma_start3A_112, %dma_start3A_113] : memref<2x80x128xf32, #tpu.memory_space<vmem>> -> memref<1x80x128xf32, #tpu.memory_space<vmem>>
      %dma_start3A_115 = tpu.memref_squeeze %dma_start3A_114 : memref<1x80x128xf32, #tpu.memory_space<vmem>> -> memref<80x128xf32, #tpu.memory_space<vmem>>
      %dma_start3A_116 = arith.constant 0 : i32
      %dma_start3A_117 = tpu.memref_slice %arg13[%add3A_26, %dma_start3A_116] : memref<10240x128xf32, #tpu.memory_space<vmem_shared>> -> memref<80x128xf32, #tpu.memory_space<vmem_shared>>
      %dma_start3A_118 = arith.constant 0 : i32
      %dma_start3A_119 = tpu.memref_slice %arg13[%add3A_26, %dma_start3A_118] : memref<10240x128xf32, #tpu.memory_space<vmem_shared>> -> memref<80x128xf32, #tpu.memory_space<vmem_shared>>
      %dma_start3A_120 = arith.constant 0 : i32
      %dma_start3A_121 = arith.constant 0 : i32
      %dma_start3A_122 = tpu.memref_slice %arg11[%run_scoped3A_27, %dma_start3A_120, %dma_start3A_121] : memref<2x80x128xf32, #tpu.memory_space<vmem>> -> memref<1x80x128xf32, #tpu.memory_space<vmem>>
      %dma_start3A_123 = tpu.memref_squeeze %dma_start3A_122 : memref<1x80x128xf32, #tpu.memory_space<vmem>> -> memref<80x128xf32, #tpu.memory_space<vmem>>
      tpu.enqueue_dma source(%dma_start3A_123 : memref<80x128xf32, #tpu.memory_space<vmem>>) target(%dma_start3A_119 : memref<80x128xf32, #tpu.memory_space<vmem_shared>>) target_semaphore(%run_scoped3A_111 : memref<!tpu.dma_semaphore, #tpu.memory_space<semaphore_mem>>)
      %dma_wait3A_124 = arith.constant 0 : i32
      %dma_wait3A_125 = arith.constant 0 : i32
      %dma_wait3A_126 = tpu.memref_slice %arg11[%run_scoped3A_27, %dma_wait3A_124, %dma_wait3A_125] : memref<2x80x128xf32, #tpu.memory_space<vmem>> -> memref<1x80x128xf32, #tpu.memory_space<vmem>>
      %dma_wait3A_127 = tpu.memref_squeeze %dma_wait3A_126 : memref<1x80x128xf32, #tpu.memory_space<vmem>> -> memref<80x128xf32, #tpu.memory_space<vmem>>
      %dma_wait3A_128 = arith.constant 0 : i32
      %dma_wait3A_129 = tpu.memref_slice %arg13[%add3A_26, %dma_wait3A_128] : memref<10240x128xf32, #tpu.memory_space<vmem_shared>> -> memref<80x128xf32, #tpu.memory_space<vmem_shared>>
      %dma_wait3A_130 = arith.constant 0 : i32
      %dma_wait3A_131 = tpu.memref_slice %arg13[%add3A_26, %dma_wait3A_130] : memref<10240x128xf32, #tpu.memory_space<vmem_shared>> -> memref<80x128xf32, #tpu.memory_space<vmem_shared>>
      %dma_wait3A_132 = arith.constant 0 : i32
      %dma_wait3A_133 = arith.constant 0 : i32
      %dma_wait3A_134 = tpu.memref_slice %arg11[%run_scoped3A_27, %dma_wait3A_132, %dma_wait3A_133] : memref<2x80x128xf32, #tpu.memory_space<vmem>> -> memref<1x80x128xf32, #tpu.memory_space<vmem>>
      %dma_wait3A_135 = tpu.memref_squeeze %dma_wait3A_134 : memref<1x80x128xf32, #tpu.memory_space<vmem>> -> memref<80x128xf32, #tpu.memory_space<vmem>>
      tpu.wait_dma2 semaphore(%run_scoped3A_111 : memref<!tpu.dma_semaphore, #tpu.memory_space<semaphore_mem>>) src(%dma_wait3A_135 : memref<80x128xf32, #tpu.memory_space<vmem>>) dst(%dma_wait3A_131 : memref<80x128xf32, #tpu.memory_space<vmem_shared>>)
      tpu.yield
    }) : () -> ()
    %barrier3A = arith.constant 0 : index
    tpu.barrier barrier_id(%barrier3A)
    %mul3A_28 = arith.constant 160000 : i32
    %mul3A_29 = arith.muli %arg0, %mul3A_28 : i32
    %mul3A_30 = arith.constant 10000 : i32
    %mul3A_31 = arith.muli %arg1, %mul3A_30 : i32
    %add3A_32 = arith.addi %mul3A_29, %mul3A_31 : i32
    %add3A_33 = arith.constant 0 : i32
    %add3A_34 = arith.addi %add3A_32, %add3A_33 : i32
    %dma_start3A = tpu.memref_slice %arg3[%add3A_34] : memref<320000xi32, #tpu.memory_space<hbm>> -> memref<80xi32, #tpu.memory_space<hbm>>
    %dma_start3A_35 = tpu.memref_slice %arg3[%add3A_34] : memref<320000xi32, #tpu.memory_space<hbm>> -> memref<80xi32, #tpu.memory_space<hbm>>
    tpu.enqueue_dma source(%dma_start3A_35 : memref<80xi32, #tpu.memory_space<hbm>>) target(%arg7 : memref<80xi32, #tpu.memory_space<vmem>>) target_semaphore(%arg18 : memref<!tpu.dma_semaphore, #tpu.memory_space<semaphore_mem>>)
    %dma_start3A_36 = tpu.memref_slice %arg4[%add3A_34] : memref<320000xi32, #tpu.memory_space<hbm>> -> memref<80xi32, #tpu.memory_space<hbm>>
    %dma_start3A_37 = tpu.memref_slice %arg4[%add3A_34] : memref<320000xi32, #tpu.memory_space<hbm>> -> memref<80xi32, #tpu.memory_space<hbm>>
    tpu.enqueue_dma source(%dma_start3A_37 : memref<80xi32, #tpu.memory_space<hbm>>) target(%arg9 : memref<80xi32, #tpu.memory_space<vmem>>) target_semaphore(%arg18 : memref<!tpu.dma_semaphore, #tpu.memory_space<semaphore_mem>>)
    %add3A_38 = arith.constant 0 : i32
    %add3A_39 = arith.addi %add3A_32, %add3A_38 : i32
    %dma_wait3A = tpu.memref_slice %arg3[%add3A_39] : memref<320000xi32, #tpu.memory_space<hbm>> -> memref<80xi32, #tpu.memory_space<hbm>>
    %dma_wait3A_40 = tpu.memref_slice %arg3[%add3A_39] : memref<320000xi32, #tpu.memory_space<hbm>> -> memref<80xi32, #tpu.memory_space<hbm>>
    tpu.wait_dma2 semaphore(%arg18 : memref<!tpu.dma_semaphore, #tpu.memory_space<semaphore_mem>>) src(%dma_wait3A_40 : memref<80xi32, #tpu.memory_space<hbm>>) dst(%arg7 : memref<80xi32, #tpu.memory_space<vmem>>)
    %dma_wait3A_41 = tpu.memref_slice %arg4[%add3A_39] : memref<320000xi32, #tpu.memory_space<hbm>> -> memref<80xi32, #tpu.memory_space<hbm>>
    %dma_wait3A_42 = tpu.memref_slice %arg4[%add3A_39] : memref<320000xi32, #tpu.memory_space<hbm>> -> memref<80xi32, #tpu.memory_space<hbm>>
    tpu.wait_dma2 semaphore(%arg18 : memref<!tpu.dma_semaphore, #tpu.memory_space<semaphore_mem>>) src(%dma_wait3A_42 : memref<80xi32, #tpu.memory_space<hbm>>) dst(%arg9 : memref<80xi32, #tpu.memory_space<vmem>>)
    %dma_start3A_43 = arith.constant 0 : i32
    %dma_start3A_44 = arith.constant 0 : i32
    %dma_start3A_45 = arith.constant 0 : i32
    %dma_start3A_46 = tpu.memref_slice %arg11[%dma_start3A_43, %dma_start3A_44, %dma_start3A_45] : memref<2x80x128xf32, #tpu.memory_space<vmem>> -> memref<1x80x128xf32, #tpu.memory_space<vmem>>
    %dma_start3A_47 = tpu.memref_squeeze %dma_start3A_46 : memref<1x80x128xf32, #tpu.memory_space<vmem>> -> memref<80x128xf32, #tpu.memory_space<vmem>>
    %dma_start3A_48 = arith.constant 0 : i32
    %dma_start3A_49 = tpu.memref_slice %arg5[%add3A_39, %dma_start3A_48] : memref<320000x128xf32, #tpu.memory_space<hbm>> -> memref<80x128xf32, #tpu.memory_space<hbm>>
    %dma_start3A_50 = arith.constant 0 : i32
    %dma_start3A_51 = arith.constant 0 : i32
    %dma_start3A_52 = tpu.memref_slice %arg11[%dma_start3A_43, %dma_start3A_50, %dma_start3A_51] : memref<2x80x128xf32, #tpu.memory_space<vmem>> -> memref<1x80x128xf32, #tpu.memory_space<vmem>>
    %dma_start3A_53 = tpu.memref_squeeze %dma_start3A_52 : memref<1x80x128xf32, #tpu.memory_space<vmem>> -> memref<80x128xf32, #tpu.memory_space<vmem>>
    %dma_start3A_54 = arith.constant 0 : i32
    %dma_start3A_55 = tpu.memref_slice %arg5[%add3A_39, %dma_start3A_54] : memref<320000x128xf32, #tpu.memory_space<hbm>> -> memref<80x128xf32, #tpu.memory_space<hbm>>
    tpu.enqueue_dma source(%dma_start3A_55 : memref<80x128xf32, #tpu.memory_space<hbm>>) target(%dma_start3A_53 : memref<80x128xf32, #tpu.memory_space<vmem>>) target_semaphore(%arg14 : memref<!tpu.dma_semaphore, #tpu.memory_space<semaphore_mem>>)
    %dma_start3A_56 = arith.constant 0 : i32
    %dma_start3A_57 = arith.constant 0 : i32
    %dma_start3A_58 = arith.constant 0 : i32
    %dma_start3A_59 = tpu.memref_slice %arg12[%dma_start3A_56, %dma_start3A_57, %dma_start3A_58] : memref<2x80x128xf32, #tpu.memory_space<vmem>> -> memref<1x80x128xf32, #tpu.memory_space<vmem>>
    %dma_start3A_60 = tpu.memref_squeeze %dma_start3A_59 : memref<1x80x128xf32, #tpu.memory_space<vmem>> -> memref<80x128xf32, #tpu.memory_space<vmem>>
    %dma_start3A_61 = arith.constant 0 : i32
    %dma_start3A_62 = arith.constant 0 : i32
    %dma_start3A_63 = tpu.memref_slice %arg2[%dma_start3A_61, %dma_start3A_62] : memref<10000x128xf32, #tpu.memory_space<hbm>> -> memref<10000x128xf32, #tpu.memory_space<hbm>>
    tpu.enqueue_indirect_dma source(%dma_start3A_63 : memref<10000x128xf32, #tpu.memory_space<hbm>>) target(%dma_start3A_60 : memref<80x128xf32, #tpu.memory_space<vmem>>) offsets(%arg7 : memref<80xi32, #tpu.memory_space<vmem>>) semaphore(%arg16 : memref<!tpu.dma_semaphore, #tpu.memory_space<semaphore_mem>>)
    %add3A_64 = arith.constant 80 : i32
    %add3A_65 = arith.addi %add3A_32, %add3A_64 : i32
    %dma_start3A_66 = tpu.memref_slice %arg3[%add3A_65] : memref<320000xi32, #tpu.memory_space<hbm>> -> memref<80xi32, #tpu.memory_space<hbm>>
    %dma_start3A_67 = tpu.memref_slice %arg3[%add3A_65] : memref<320000xi32, #tpu.memory_space<hbm>> -> memref<80xi32, #tpu.memory_space<hbm>>
    tpu.enqueue_dma source(%dma_start3A_67 : memref<80xi32, #tpu.memory_space<hbm>>) target(%arg8 : memref<80xi32, #tpu.memory_space<vmem>>) target_semaphore(%arg19 : memref<!tpu.dma_semaphore, #tpu.memory_space<semaphore_mem>>)
    %dma_start3A_68 = tpu.memref_slice %arg4[%add3A_65] : memref<320000xi32, #tpu.memory_space<hbm>> -> memref<80xi32, #tpu.memory_space<hbm>>
    %dma_start3A_69 = tpu.memref_slice %arg4[%add3A_65] : memref<320000xi32, #tpu.memory_space<hbm>> -> memref<80xi32, #tpu.memory_space<hbm>>
    tpu.enqueue_dma source(%dma_start3A_69 : memref<80xi32, #tpu.memory_space<hbm>>) target(%arg10 : memref<80xi32, #tpu.memory_space<vmem>>) target_semaphore(%arg19 : memref<!tpu.dma_semaphore, #tpu.memory_space<semaphore_mem>>)
    %scan3A_70 = arith.constant 0 : i32
    %scan3A_71 = arith.constant 0 : i32
    %scan3A_72 = arith.constant 62 : i32
    %scan3A_73 = arith.addi %scan3A_71, %scan3A_72 : i32
    %scan3A_74 = arith.constant 1 : i32
    scf.for %scan3A_111 = %scan3A_71 to %scan3A_73 step %scan3A_74  : i32 {
      %mul3A_112 = arith.constant 2 : i32
      %mul3A_113 = arith.muli %mul3A_112, %scan3A_111 : i32
      %add3A_114 = arith.constant 1 : i32
      %add3A_115 = arith.addi %mul3A_113, %add3A_114 : i32
      %mul3A_116 = arith.constant 80 : i32
      %mul3A_117 = arith.muli %add3A_115, %mul3A_116 : i32
      %add3A_118 = arith.addi %add3A_32, %mul3A_117 : i32
      %dma_wait3A_119 = tpu.memref_slice %arg3[%add3A_118] : memref<320000xi32, #tpu.memory_space<hbm>> -> memref<80xi32, #tpu.memory_space<hbm>>
      %dma_wait3A_120 = tpu.memref_slice %arg3[%add3A_118] : memref<320000xi32, #tpu.memory_space<hbm>> -> memref<80xi32, #tpu.memory_space<hbm>>
      tpu.wait_dma2 semaphore(%arg19 : memref<!tpu.dma_semaphore, #tpu.memory_space<semaphore_mem>>) src(%dma_wait3A_120 : memref<80xi32, #tpu.memory_space<hbm>>) dst(%arg8 : memref<80xi32, #tpu.memory_space<vmem>>)
      %dma_wait3A_121 = tpu.memref_slice %arg4[%add3A_118] : memref<320000xi32, #tpu.memory_space<hbm>> -> memref<80xi32, #tpu.memory_space<hbm>>
      %dma_wait3A_122 = tpu.memref_slice %arg4[%add3A_118] : memref<320000xi32, #tpu.memory_space<hbm>> -> memref<80xi32, #tpu.memory_space<hbm>>
      tpu.wait_dma2 semaphore(%arg19 : memref<!tpu.dma_semaphore, #tpu.memory_space<semaphore_mem>>) src(%dma_wait3A_122 : memref<80xi32, #tpu.memory_space<hbm>>) dst(%arg10 : memref<80xi32, #tpu.memory_space<vmem>>)
      %dma_start3A_123 = arith.constant 1 : i32
      %dma_start3A_124 = arith.constant 0 : i32
      %dma_start3A_125 = arith.constant 0 : i32
      %dma_start3A_126 = tpu.memref_slice %arg11[%dma_start3A_123, %dma_start3A_124, %dma_start3A_125] : memref<2x80x128xf32, #tpu.memory_space<vmem>> -> memref<1x80x128xf32, #tpu.memory_space<vmem>>
      %dma_start3A_127 = tpu.memref_squeeze %dma_start3A_126 : memref<1x80x128xf32, #tpu.memory_space<vmem>> -> memref<80x128xf32, #tpu.memory_space<vmem>>
      %dma_start3A_128 = arith.constant 0 : i32
      %dma_start3A_129 = tpu.memref_slice %arg5[%add3A_118, %dma_start3A_128] : memref<320000x128xf32, #tpu.memory_space<hbm>> -> memref<80x128xf32, #tpu.memory_space<hbm>>
      %dma_start3A_130 = arith.constant 0 : i32
      %dma_start3A_131 = arith.constant 0 : i32
      %dma_start3A_132 = tpu.memref_slice %arg11[%dma_start3A_123, %dma_start3A_130, %dma_start3A_131] : memref<2x80x128xf32, #tpu.memory_space<vmem>> -> memref<1x80x128xf32, #tpu.memory_space<vmem>>
      %dma_start3A_133 = tpu.memref_squeeze %dma_start3A_132 : memref<1x80x128xf32, #tpu.memory_space<vmem>> -> memref<80x128xf32, #tpu.memory_space<vmem>>
      %dma_start3A_134 = arith.constant 0 : i32
      %dma_start3A_135 = tpu.memref_slice %arg5[%add3A_118, %dma_start3A_134] : memref<320000x128xf32, #tpu.memory_space<hbm>> -> memref<80x128xf32, #tpu.memory_space<hbm>>
      tpu.enqueue_dma source(%dma_start3A_135 : memref<80x128xf32, #tpu.memory_space<hbm>>) target(%dma_start3A_133 : memref<80x128xf32, #tpu.memory_space<vmem>>) target_semaphore(%arg15 : memref<!tpu.dma_semaphore, #tpu.memory_space<semaphore_mem>>)
      %dma_start3A_136 = arith.constant 1 : i32
      %dma_start3A_137 = arith.constant 0 : i32
      %dma_start3A_138 = arith.constant 0 : i32
      %dma_start3A_139 = tpu.memref_slice %arg12[%dma_start3A_136, %dma_start3A_137, %dma_start3A_138] : memref<2x80x128xf32, #tpu.memory_space<vmem>> -> memref<1x80x128xf32, #tpu.memory_space<vmem>>
      %dma_start3A_140 = tpu.memref_squeeze %dma_start3A_139 : memref<1x80x128xf32, #tpu.memory_space<vmem>> -> memref<80x128xf32, #tpu.memory_space<vmem>>
      %dma_start3A_141 = arith.constant 0 : i32
      %dma_start3A_142 = arith.constant 0 : i32
      %dma_start3A_143 = tpu.memref_slice %arg2[%dma_start3A_141, %dma_start3A_142] : memref<10000x128xf32, #tpu.memory_space<hbm>> -> memref<10000x128xf32, #tpu.memory_space<hbm>>
      tpu.enqueue_indirect_dma source(%dma_start3A_143 : memref<10000x128xf32, #tpu.memory_space<hbm>>) target(%dma_start3A_140 : memref<80x128xf32, #tpu.memory_space<vmem>>) offsets(%arg8 : memref<80xi32, #tpu.memory_space<vmem>>) semaphore(%arg17 : memref<!tpu.dma_semaphore, #tpu.memory_space<semaphore_mem>>)
      %mul3A_144 = arith.constant 80 : i32
      %mul3A_145 = arith.muli %mul3A_113, %mul3A_144 : i32
      %add3A_146 = arith.addi %add3A_32, %mul3A_145 : i32
      %dma_wait3A_147 = arith.constant 0 : i32
      %dma_wait3A_148 = arith.constant 0 : i32
      %dma_wait3A_149 = arith.constant 0 : i32
      %dma_wait3A_150 = tpu.memref_slice %arg11[%dma_wait3A_147, %dma_wait3A_148, %dma_wait3A_149] : memref<2x80x128xf32, #tpu.memory_space<vmem>> -> memref<1x80x128xf32, #tpu.memory_space<vmem>>
      %dma_wait3A_151 = tpu.memref_squeeze %dma_wait3A_150 : memref<1x80x128xf32, #tpu.memory_space<vmem>> -> memref<80x128xf32, #tpu.memory_space<vmem>>
      %dma_wait3A_152 = arith.constant 0 : i32
      %dma_wait3A_153 = tpu.memref_slice %arg5[%add3A_146, %dma_wait3A_152] : memref<320000x128xf32, #tpu.memory_space<hbm>> -> memref<80x128xf32, #tpu.memory_space<hbm>>
      %dma_wait3A_154 = arith.constant 0 : i32
      %dma_wait3A_155 = arith.constant 0 : i32
      %dma_wait3A_156 = tpu.memref_slice %arg11[%dma_wait3A_147, %dma_wait3A_154, %dma_wait3A_155] : memref<2x80x128xf32, #tpu.memory_space<vmem>> -> memref<1x80x128xf32, #tpu.memory_space<vmem>>
      %dma_wait3A_157 = tpu.memref_squeeze %dma_wait3A_156 : memref<1x80x128xf32, #tpu.memory_space<vmem>> -> memref<80x128xf32, #tpu.memory_space<vmem>>
      %dma_wait3A_158 = arith.constant 0 : i32
      %dma_wait3A_159 = tpu.memref_slice %arg5[%add3A_146, %dma_wait3A_158] : memref<320000x128xf32, #tpu.memory_space<hbm>> -> memref<80x128xf32, #tpu.memory_space<hbm>>
      tpu.wait_dma2 semaphore(%arg14 : memref<!tpu.dma_semaphore, #tpu.memory_space<semaphore_mem>>) src(%dma_wait3A_159 : memref<80x128xf32, #tpu.memory_space<hbm>>) dst(%dma_wait3A_157 : memref<80x128xf32, #tpu.memory_space<vmem>>)
      %dma_wait3A_160 = arith.constant 0 : i32
      %dma_wait3A_161 = arith.constant 0 : i32
      %dma_wait3A_162 = arith.constant 0 : i32
      %dma_wait3A_163 = tpu.memref_slice %arg12[%dma_wait3A_160, %dma_wait3A_161, %dma_wait3A_162] : memref<2x80x128xf32, #tpu.memory_space<vmem>> -> memref<1x80x128xf32, #tpu.memory_space<vmem>>
      %dma_wait3A_164 = tpu.memref_squeeze %dma_wait3A_163 : memref<1x80x128xf32, #tpu.memory_space<vmem>> -> memref<80x128xf32, #tpu.memory_space<vmem>>
      %dma_wait3A_165 = arith.constant 0 : i32
      %dma_wait3A_166 = arith.constant 0 : i32
      %dma_wait3A_167 = tpu.memref_slice %arg2[%dma_wait3A_165, %dma_wait3A_166] : memref<10000x128xf32, #tpu.memory_space<hbm>> -> memref<10000x128xf32, #tpu.memory_space<hbm>>
      tpu.wait_indirect_dma semaphore(%arg16 : memref<!tpu.dma_semaphore, #tpu.memory_space<semaphore_mem>>) src(%dma_wait3A_167 : memref<10000x128xf32, #tpu.memory_space<hbm>>) dst(%dma_wait3A_164 : memref<80x128xf32, #tpu.memory_space<vmem>>)
      %scan3A_168 = arith.constant 0 : i32
      %scan3A_169 = arith.constant 0 : i32
      %scan3A_170 = arith.constant 80 : i32
      %scan3A_171 = arith.addi %scan3A_169, %scan3A_170 : i32
      %scan3A_172 = arith.constant 1 : i32
      scf.for %scan3A_257 = %scan3A_169 to %scan3A_171 step %scan3A_172  : i32 {
        %get3A = arith.constant 0 : i32
        %get3A_258 = arith.index_cast %get3A : i32 to index
        %get3A_259 = arith.index_cast %scan3A_257 : i32 to index
        %get3A_260 = arith.constant 0 : index
        %get3A_261 = tpu.vector_load %arg11[%get3A_258, %get3A_259, %get3A_260] {strides = array<i32>} : memref<2x80x128xf32, #tpu.memory_space<vmem>>, vector<1x1x16xf32>,
        %get3A_262 = vector.shape_cast %get3A_261 : vector<1x1x16xf32> to vector<16xf32>
        %get3A_263 = arith.constant 0 : i32
        %get3A_264 = arith.index_cast %get3A_263 : i32 to index
        %get3A_265 = arith.index_cast %scan3A_257 : i32 to index
        %get3A_266 = arith.constant 0 : index
        %get3A_267 = tpu.vector_load %arg12[%get3A_264, %get3A_265, %get3A_266] {strides = array<i32>} : memref<2x80x128xf32, #tpu.memory_space<vmem>>, vector<1x1x16xf32>,
        %get3A_268 = vector.shape_cast %get3A_267 : vector<1x1x16xf32> to vector<16xf32>
        %add3A_269 = arith.addf %get3A_262, %get3A_268 : vector<16xf32>
        %max3A = arith.constant 0.000000e+00 : f32
        %max3A_270 = vector.broadcast %max3A : f32 to vector<16xf32>
        %max3A_271 = arith.maximumf %add3A_269, %max3A_270 : vector<16xf32>
        %swap3A = arith.constant 0 : i32
        %swap3A_272 = arith.index_cast %swap3A : i32 to index
        %swap3A_273 = arith.index_cast %scan3A_257 : i32 to index
        %swap3A_274 = arith.constant 0 : index
        %swap3A_275 = tpu.vector_load %arg11[%swap3A_272, %swap3A_273, %swap3A_274] {strides = array<i32>} : memref<2x80x128xf32, #tpu.memory_space<vmem>>, vector<1x1x16xf32>,
        %swap3A_276 = vector.shape_cast %swap3A_275 : vector<1x1x16xf32> to vector<16xf32>
        %swap3A_277 = vector.shape_cast %max3A_271 : vector<16xf32> to vector<1x1x16xf32>
        tpu.vector_store %arg11[%swap3A_272, %swap3A_273, %swap3A_274], %swap3A_277 {strides = array<i32>} : memref<2x80x128xf32, #tpu.memory_space<vmem>>, vector<1x1x16xf32>,
        %get3A_278 = arith.constant 0 : i32
        %get3A_279 = arith.index_cast %get3A_278 : i32 to index
        %get3A_280 = arith.index_cast %scan3A_257 : i32 to index
        %get3A_281 = arith.constant 16 : index
        %get3A_282 = tpu.vector_load %arg11[%get3A_279, %get3A_280, %get3A_281] {strides = array<i32>} : memref<2x80x128xf32, #tpu.memory_space<vmem>>, vector<1x1x16xf32>,
        %get3A_283 = vector.shape_cast %get3A_282 : vector<1x1x16xf32> to vector<16xf32>
        %get3A_284 = arith.constant 0 : i32
        %get3A_285 = arith.index_cast %get3A_284 : i32 to index
        %get3A_286 = arith.index_cast %scan3A_257 : i32 to index
        %get3A_287 = arith.constant 16 : index
        %get3A_288 = tpu.vector_load %arg12[%get3A_285, %get3A_286, %get3A_287] {strides = array<i32>} : memref<2x80x128xf32, #tpu.memory_space<vmem>>, vector<1x1x16xf32>,
        %get3A_289 = vector.shape_cast %get3A_288 : vector<1x1x16xf32> to vector<16xf32>
        %add3A_290 = arith.addf %get3A_283, %get3A_289 : vector<16xf32>
        %max3A_291 = arith.constant 0.000000e+00 : f32
        %max3A_292 = vector.broadcast %max3A_291 : f32 to vector<16xf32>
        %max3A_293 = arith.maximumf %add3A_290, %max3A_292 : vector<16xf32>
        %swap3A_294 = arith.constant 0 : i32
        %swap3A_295 = arith.index_cast %swap3A_294 : i32 to index
        %swap3A_296 = arith.index_cast %scan3A_257 : i32 to index
        %swap3A_297 = arith.constant 16 : index
        %swap3A_298 = tpu.vector_load %arg11[%swap3A_295, %swap3A_296, %swap3A_297] {strides = array<i32>} : memref<2x80x128xf32, #tpu.memory_space<vmem>>, vector<1x1x16xf32>,
        %swap3A_299 = vector.shape_cast %swap3A_298 : vector<1x1x16xf32> to vector<16xf32>
        %swap3A_300 = vector.shape_cast %max3A_293 : vector<16xf32> to vector<1x1x16xf32>
        tpu.vector_store %arg11[%swap3A_295, %swap3A_296, %swap3A_297], %swap3A_300 {strides = array<i32>} : memref<2x80x128xf32, #tpu.memory_space<vmem>>, vector<1x1x16xf32>,
        %get3A_301 = arith.constant 0 : i32
        %get3A_302 = arith.index_cast %get3A_301 : i32 to index
        %get3A_303 = arith.index_cast %scan3A_257 : i32 to index
        %get3A_304 = arith.constant 32 : index
        %get3A_305 = tpu.vector_load %arg11[%get3A_302, %get3A_303, %get3A_304] {strides = array<i32>} : memref<2x80x128xf32, #tpu.memory_space<vmem>>, vector<1x1x16xf32>,
        %get3A_306 = vector.shape_cast %get3A_305 : vector<1x1x16xf32> to vector<16xf32>
        %get3A_307 = arith.constant 0 : i32
        %get3A_308 = arith.index_cast %get3A_307 : i32 to index
        %get3A_309 = arith.index_cast %scan3A_257 : i32 to index
        %get3A_310 = arith.constant 32 : index
        %get3A_311 = tpu.vector_load %arg12[%get3A_308, %get3A_309, %get3A_310] {strides = array<i32>} : memref<2x80x128xf32, #tpu.memory_space<vmem>>, vector<1x1x16xf32>,
        %get3A_312 = vector.shape_cast %get3A_311 : vector<1x1x16xf32> to vector<16xf32>
        %add3A_313 = arith.addf %get3A_306, %get3A_312 : vector<16xf32>
        %max3A_314 = arith.constant 0.000000e+00 : f32
        %max3A_315 = vector.broadcast %max3A_314 : f32 to vector<16xf32>
        %max3A_316 = arith.maximumf %add3A_313, %max3A_315 : vector<16xf32>
        %swap3A_317 = arith.constant 0 : i32
        %swap3A_318 = arith.index_cast %swap3A_317 : i32 to index
        %swap3A_319 = arith.index_cast %scan3A_257 : i32 to index
        %swap3A_320 = arith.constant 32 : index
        %swap3A_321 = tpu.vector_load %arg11[%swap3A_318, %swap3A_319, %swap3A_320] {strides = array<i32>} : memref<2x80x128xf32, #tpu.memory_space<vmem>>, vector<1x1x16xf32>,
        %swap3A_322 = vector.shape_cast %swap3A_321 : vector<1x1x16xf32> to vector<16xf32>
        %swap3A_323 = vector.shape_cast %max3A_316 : vector<16xf32> to vector<1x1x16xf32>
        tpu.vector_store %arg11[%swap3A_318, %swap3A_319, %swap3A_320], %swap3A_323 {strides = array<i32>} : memref<2x80x128xf32, #tpu.memory_space<vmem>>, vector<1x1x16xf32>,
        %get3A_324 = arith.constant 0 : i32
        %get3A_325 = arith.index_cast %get3A_324 : i32 to index
        %get3A_326 = arith.index_cast %scan3A_257 : i32 to index
        %get3A_327 = arith.constant 48 : index
        %get3A_328 = tpu.vector_load %arg11[%get3A_325, %get3A_326, %get3A_327] {strides = array<i32>} : memref<2x80x128xf32, #tpu.memory_space<vmem>>, vector<1x1x16xf32>,
        %get3A_329 = vector.shape_cast %get3A_328 : vector<1x1x16xf32> to vector<16xf32>
        %get3A_330 = arith.constant 0 : i32
        %get3A_331 = arith.index_cast %get3A_330 : i32 to index
        %get3A_332 = arith.index_cast %scan3A_257 : i32 to index
        %get3A_333 = arith.constant 48 : index
        %get3A_334 = tpu.vector_load %arg12[%get3A_331, %get3A_332, %get3A_333] {strides = array<i32>} : memref<2x80x128xf32, #tpu.memory_space<vmem>>, vector<1x1x16xf32>,
        %get3A_335 = vector.shape_cast %get3A_334 : vector<1x1x16xf32> to vector<16xf32>
        %add3A_336 = arith.addf %get3A_329, %get3A_335 : vector<16xf32>
        %max3A_337 = arith.constant 0.000000e+00 : f32
        %max3A_338 = vector.broadcast %max3A_337 : f32 to vector<16xf32>
        %max3A_339 = arith.maximumf %add3A_336, %max3A_338 : vector<16xf32>
        %swap3A_340 = arith.constant 0 : i32
        %swap3A_341 = arith.index_cast %swap3A_340 : i32 to index
        %swap3A_342 = arith.index_cast %scan3A_257 : i32 to index
        %swap3A_343 = arith.constant 48 : index
        %swap3A_344 = tpu.vector_load %arg11[%swap3A_341, %swap3A_342, %swap3A_343] {strides = array<i32>} : memref<2x80x128xf32, #tpu.memory_space<vmem>>, vector<1x1x16xf32>,
        %swap3A_345 = vector.shape_cast %swap3A_344 : vector<1x1x16xf32> to vector<16xf32>
        %swap3A_346 = vector.shape_cast %max3A_339 : vector<16xf32> to vector<1x1x16xf32>
        tpu.vector_store %arg11[%swap3A_341, %swap3A_342, %swap3A_343], %swap3A_346 {strides = array<i32>} : memref<2x80x128xf32, #tpu.memory_space<vmem>>, vector<1x1x16xf32>,
        %get3A_347 = arith.constant 0 : i32
        %get3A_348 = arith.index_cast %get3A_347 : i32 to index
        %get3A_349 = arith.index_cast %scan3A_257 : i32 to index
        %get3A_350 = arith.constant 64 : index
        %get3A_351 = tpu.vector_load %arg11[%get3A_348, %get3A_349, %get3A_350] {strides = array<i32>} : memref<2x80x128xf32, #tpu.memory_space<vmem>>, vector<1x1x16xf32>,
        %get3A_352 = vector.shape_cast %get3A_351 : vector<1x1x16xf32> to vector<16xf32>
        %get3A_353 = arith.constant 0 : i32
        %get3A_354 = arith.index_cast %get3A_353 : i32 to index
        %get3A_355 = arith.index_cast %scan3A_257 : i32 to index
        %get3A_356 = arith.constant 64 : index
        %get3A_357 = tpu.vector_load %arg12[%get3A_354, %get3A_355, %get3A_356] {strides = array<i32>} : memref<2x80x128xf32, #tpu.memory_space<vmem>>, vector<1x1x16xf32>,
        %get3A_358 = vector.shape_cast %get3A_357 : vector<1x1x16xf32> to vector<16xf32>
        %add3A_359 = arith.addf %get3A_352, %get3A_358 : vector<16xf32>
        %max3A_360 = arith.constant 0.000000e+00 : f32
        %max3A_361 = vector.broadcast %max3A_360 : f32 to vector<16xf32>
        %max3A_362 = arith.maximumf %add3A_359, %max3A_361 : vector<16xf32>
        %swap3A_363 = arith.constant 0 : i32
        %swap3A_364 = arith.index_cast %swap3A_363 : i32 to index
        %swap3A_365 = arith.index_cast %scan3A_257 : i32 to index
        %swap3A_366 = arith.constant 64 : index
        %swap3A_367 = tpu.vector_load %arg11[%swap3A_364, %swap3A_365, %swap3A_366] {strides = array<i32>} : memref<2x80x128xf32, #tpu.memory_space<vmem>>, vector<1x1x16xf32>,
        %swap3A_368 = vector.shape_cast %swap3A_367 : vector<1x1x16xf32> to vector<16xf32>
        %swap3A_369 = vector.shape_cast %max3A_362 : vector<16xf32> to vector<1x1x16xf32>
        tpu.vector_store %arg11[%swap3A_364, %swap3A_365, %swap3A_366], %swap3A_369 {strides = array<i32>} : memref<2x80x128xf32, #tpu.memory_space<vmem>>, vector<1x1x16xf32>,
        %get3A_370 = arith.constant 0 : i32
        %get3A_371 = arith.index_cast %get3A_370 : i32 to index
        %get3A_372 = arith.index_cast %scan3A_257 : i32 to index
        %get3A_373 = arith.constant 80 : index
        %get3A_374 = tpu.vector_load %arg11[%get3A_371, %get3A_372, %get3A_373] {strides = array<i32>} : memref<2x80x128xf32, #tpu.memory_space<vmem>>, vector<1x1x16xf32>,
        %get3A_375 = vector.shape_cast %get3A_374 : vector<1x1x16xf32> to vector<16xf32>
        %get3A_376 = arith.constant 0 : i32
        %get3A_377 = arith.index_cast %get3A_376 : i32 to index
        %get3A_378 = arith.index_cast %scan3A_257 : i32 to index
        %get3A_379 = arith.constant 80 : index
        %get3A_380 = tpu.vector_load %arg12[%get3A_377, %get3A_378, %get3A_379] {strides = array<i32>} : memref<2x80x128xf32, #tpu.memory_space<vmem>>, vector<1x1x16xf32>,
        %get3A_381 = vector.shape_cast %get3A_380 : vector<1x1x16xf32> to vector<16xf32>
        %add3A_382 = arith.addf %get3A_375, %get3A_381 : vector<16xf32>
        %max3A_383 = arith.constant 0.000000e+00 : f32
        %max3A_384 = vector.broadcast %max3A_383 : f32 to vector<16xf32>
        %max3A_385 = arith.maximumf %add3A_382, %max3A_384 : vector<16xf32>
        %swap3A_386 = arith.constant 0 : i32
        %swap3A_387 = arith.index_cast %swap3A_386 : i32 to index
        %swap3A_388 = arith.index_cast %scan3A_257 : i32 to index
        %swap3A_389 = arith.constant 80 : index
        %swap3A_390 = tpu.vector_load %arg11[%swap3A_387, %swap3A_388, %swap3A_389] {strides = array<i32>} : memref<2x80x128xf32, #tpu.memory_space<vmem>>, vector<1x1x16xf32>,
        %swap3A_391 = vector.shape_cast %swap3A_390 : vector<1x1x16xf32> to vector<16xf32>
        %swap3A_392 = vector.shape_cast %max3A_385 : vector<16xf32> to vector<1x1x16xf32>
        tpu.vector_store %arg11[%swap3A_387, %swap3A_388, %swap3A_389], %swap3A_392 {strides = array<i32>} : memref<2x80x128xf32, #tpu.memory_space<vmem>>, vector<1x1x16xf32>,
        %get3A_393 = arith.constant 0 : i32
        %get3A_394 = arith.index_cast %get3A_393 : i32 to index
        %get3A_395 = arith.index_cast %scan3A_257 : i32 to index
        %get3A_396 = arith.constant 96 : index
        %get3A_397 = tpu.vector_load %arg11[%get3A_394, %get3A_395, %get3A_396] {strides = array<i32>} : memref<2x80x128xf32, #tpu.memory_space<vmem>>, vector<1x1x16xf32>,
        %get3A_398 = vector.shape_cast %get3A_397 : vector<1x1x16xf32> to vector<16xf32>
        %get3A_399 = arith.constant 0 : i32
        %get3A_400 = arith.index_cast %get3A_399 : i32 to index
        %get3A_401 = arith.index_cast %scan3A_257 : i32 to index
        %get3A_402 = arith.constant 96 : index
        %get3A_403 = tpu.vector_load %arg12[%get3A_400, %get3A_401, %get3A_402] {strides = array<i32>} : memref<2x80x128xf32, #tpu.memory_space<vmem>>, vector<1x1x16xf32>,
        %get3A_404 = vector.shape_cast %get3A_403 : vector<1x1x16xf32> to vector<16xf32>
        %add3A_405 = arith.addf %get3A_398, %get3A_404 : vector<16xf32>
        %max3A_406 = arith.constant 0.000000e+00 : f32
        %max3A_407 = vector.broadcast %max3A_406 : f32 to vector<16xf32>
        %max3A_408 = arith.maximumf %add3A_405, %max3A_407 : vector<16xf32>
        %swap3A_409 = arith.constant 0 : i32
        %swap3A_410 = arith.index_cast %swap3A_409 : i32 to index
        %swap3A_411 = arith.index_cast %scan3A_257 : i32 to index
        %swap3A_412 = arith.constant 96 : index
        %swap3A_413 = tpu.vector_load %arg11[%swap3A_410, %swap3A_411, %swap3A_412] {strides = array<i32>} : memref<2x80x128xf32, #tpu.memory_space<vmem>>, vector<1x1x16xf32>,
        %swap3A_414 = vector.shape_cast %swap3A_413 : vector<1x1x16xf32> to vector<16xf32>
        %swap3A_415 = vector.shape_cast %max3A_408 : vector<16xf32> to vector<1x1x16xf32>
        tpu.vector_store %arg11[%swap3A_410, %swap3A_411, %swap3A_412], %swap3A_415 {strides = array<i32>} : memref<2x80x128xf32, #tpu.memory_space<vmem>>, vector<1x1x16xf32>,
        %get3A_416 = arith.constant 0 : i32
        %get3A_417 = arith.index_cast %get3A_416 : i32 to index
        %get3A_418 = arith.index_cast %scan3A_257 : i32 to index
        %get3A_419 = arith.constant 112 : index
        %get3A_420 = tpu.vector_load %arg11[%get3A_417, %get3A_418, %get3A_419] {strides = array<i32>} : memref<2x80x128xf32, #tpu.memory_space<vmem>>, vector<1x1x16xf32>,
        %get3A_421 = vector.shape_cast %get3A_420 : vector<1x1x16xf32> to vector<16xf32>
        %get3A_422 = arith.constant 0 : i32
        %get3A_423 = arith.index_cast %get3A_422 : i32 to index
        %get3A_424 = arith.index_cast %scan3A_257 : i32 to index
        %get3A_425 = arith.constant 112 : index
        %get3A_426 = tpu.vector_load %arg12[%get3A_423, %get3A_424, %get3A_425] {strides = array<i32>} : memref<2x80x128xf32, #tpu.memory_space<vmem>>, vector<1x1x16xf32>,
        %get3A_427 = vector.shape_cast %get3A_426 : vector<1x1x16xf32> to vector<16xf32>
        %add3A_428 = arith.addf %get3A_421, %get3A_427 : vector<16xf32>
        %max3A_429 = arith.constant 0.000000e+00 : f32
        %max3A_430 = vector.broadcast %max3A_429 : f32 to vector<16xf32>
        %max3A_431 = arith.maximumf %add3A_428, %max3A_430 : vector<16xf32>
        %swap3A_432 = arith.constant 0 : i32
        %swap3A_433 = arith.index_cast %swap3A_432 : i32 to index
        %swap3A_434 = arith.index_cast %scan3A_257 : i32 to index
        %swap3A_435 = arith.constant 112 : index
        %swap3A_436 = tpu.vector_load %arg11[%swap3A_433, %swap3A_434, %swap3A_435] {strides = array<i32>} : memref<2x80x128xf32, #tpu.memory_space<vmem>>, vector<1x1x16xf32>,
        %swap3A_437 = vector.shape_cast %swap3A_436 : vector<1x1x16xf32> to vector<16xf32>
        %swap3A_438 = vector.shape_cast %max3A_431 : vector<16xf32> to vector<1x1x16xf32>
        tpu.vector_store %arg11[%swap3A_433, %swap3A_434, %swap3A_435], %swap3A_438 {strides = array<i32>} : memref<2x80x128xf32, #tpu.memory_space<vmem>>, vector<1x1x16xf32>,
      }
      %scan3A_173 = arith.constant 80 : i32
      %run_scoped3A_174 = arith.constant 0 : i32
      "tpu.region"() ({
        %run_scoped3A_257 = tpu.sem_alloc : memref<!tpu.dma_semaphore, #tpu.memory_space<semaphore_mem>>
        %dma_start3A_258 = arith.constant 0 : i32
        %dma_start3A_259 = arith.constant 0 : i32
        %dma_start3A_260 = tpu.memref_slice %arg11[%run_scoped3A_174, %dma_start3A_258, %dma_start3A_259] : memref<2x80x128xf32, #tpu.memory_space<vmem>> -> memref<1x80x128xf32, #tpu.memory_space<vmem>>
        %dma_start3A_261 = tpu.memref_squeeze %dma_start3A_260 : memref<1x80x128xf32, #tpu.memory_space<vmem>> -> memref<80x128xf32, #tpu.memory_space<vmem>>
        %dma_start3A_262 = arith.constant 0 : i32
        %dma_start3A_263 = arith.constant 0 : i32
        %dma_start3A_264 = tpu.memref_slice %arg13[%dma_start3A_262, %dma_start3A_263] : memref<10240x128xf32, #tpu.memory_space<vmem_shared>> -> memref<10240x128xf32, #tpu.memory_space<vmem_shared>>
        tpu.enqueue_indirect_dma source(%dma_start3A_261 : memref<80x128xf32, #tpu.memory_space<vmem>>) target(%dma_start3A_264 : memref<10240x128xf32, #tpu.memory_space<vmem_shared>>) offsets(%arg9 : memref<80xi32, #tpu.memory_space<vmem>>) semaphore(%run_scoped3A_257 : memref<!tpu.dma_semaphore, #tpu.memory_space<semaphore_mem>>) {add = true}
        %dma_wait3A_265 = arith.constant 0 : i32
        %dma_wait3A_266 = arith.constant 0 : i32
        %dma_wait3A_267 = tpu.memref_slice %arg11[%run_scoped3A_174, %dma_wait3A_265, %dma_wait3A_266] : memref<2x80x128xf32, #tpu.memory_space<vmem>> -> memref<1x80x128xf32, #tpu.memory_space<vmem>>
        %dma_wait3A_268 = tpu.memref_squeeze %dma_wait3A_267 : memref<1x80x128xf32, #tpu.memory_space<vmem>> -> memref<80x128xf32, #tpu.memory_space<vmem>>
        %dma_wait3A_269 = arith.constant 0 : i32
        %dma_wait3A_270 = arith.constant 0 : i32
        %dma_wait3A_271 = tpu.memref_slice %arg13[%dma_wait3A_269, %dma_wait3A_270] : memref<10240x128xf32, #tpu.memory_space<vmem_shared>> -> memref<10240x128xf32, #tpu.memory_space<vmem_shared>>
        tpu.wait_indirect_dma semaphore(%run_scoped3A_257 : memref<!tpu.dma_semaphore, #tpu.memory_space<semaphore_mem>>) src(%dma_wait3A_268 : memref<80x128xf32, #tpu.memory_space<vmem>>) dst(%dma_wait3A_271 : memref<10240x128xf32, #tpu.memory_space<vmem_shared>>)
        tpu.yield
      }) : () -> ()
      %add3A_175 = arith.constant 2 : i32
      %add3A_176 = arith.addi %mul3A_113, %add3A_175 : i32
      %mul3A_177 = arith.constant 80 : i32
      %mul3A_178 = arith.muli %add3A_176, %mul3A_177 : i32
      %add3A_179 = arith.addi %add3A_32, %mul3A_178 : i32
      %dma_start3A_180 = tpu.memref_slice %arg3[%add3A_179] : memref<320000xi32, #tpu.memory_space<hbm>> -> memref<80xi32, #tpu.memory_space<hbm>>
      %dma_start3A_181 = tpu.memref_slice %arg3[%add3A_179] : memref<320000xi32, #tpu.memory_space<hbm>> -> memref<80xi32, #tpu.memory_space<hbm>>
      tpu.enqueue_dma source(%dma_start3A_181 : memref<80xi32, #tpu.memory_space<hbm>>) target(%arg7 : memref<80xi32, #tpu.memory_space<vmem>>) target_semaphore(%arg18 : memref<!tpu.dma_semaphore, #tpu.memory_space<semaphore_mem>>)
      %dma_start3A_182 = tpu.memref_slice %arg4[%add3A_179] : memref<320000xi32, #tpu.memory_space<hbm>> -> memref<80xi32, #tpu.memory_space<hbm>>
      %dma_start3A_183 = tpu.memref_slice %arg4[%add3A_179] : memref<320000xi32, #tpu.memory_space<hbm>> -> memref<80xi32, #tpu.memory_space<hbm>>
      tpu.enqueue_dma source(%dma_start3A_183 : memref<80xi32, #tpu.memory_space<hbm>>) target(%arg9 : memref<80xi32, #tpu.memory_space<vmem>>) target_semaphore(%arg18 : memref<!tpu.dma_semaphore, #tpu.memory_space<semaphore_mem>>)
      %add3A_184 = arith.constant 2 : i32
      %add3A_185 = arith.addi %mul3A_113, %add3A_184 : i32
      %mul3A_186 = arith.constant 80 : i32
      %mul3A_187 = arith.muli %add3A_185, %mul3A_186 : i32
      %add3A_188 = arith.addi %add3A_32, %mul3A_187 : i32
      %dma_wait3A_189 = tpu.memref_slice %arg3[%add3A_188] : memref<320000xi32, #tpu.memory_space<hbm>> -> memref<80xi32, #tpu.memory_space<hbm>>
      %dma_wait3A_190 = tpu.memref_slice %arg3[%add3A_188] : memref<320000xi32, #tpu.memory_space<hbm>> -> memref<80xi32, #tpu.memory_space<hbm>>
      tpu.wait_dma2 semaphore(%arg18 : memref<!tpu.dma_semaphore, #tpu.memory_space<semaphore_mem>>) src(%dma_wait3A_190 : memref<80xi32, #tpu.memory_space<hbm>>) dst(%arg7 : memref<80xi32, #tpu.memory_space<vmem>>)
      %dma_wait3A_191 = tpu.memref_slice %arg4[%add3A_188] : memref<320000xi32, #tpu.memory_space<hbm>> -> memref<80xi32, #tpu.memory_space<hbm>>
      %dma_wait3A_192 = tpu.memref_slice %arg4[%add3A_188] : memref<320000xi32, #tpu.memory_space<hbm>> -> memref<80xi32, #tpu.memory_space<hbm>>
      tpu.wait_dma2 semaphore(%arg18 : memref<!tpu.dma_semaphore, #tpu.memory_space<semaphore_mem>>) src(%dma_wait3A_192 : memref<80xi32, #tpu.memory_space<hbm>>) dst(%arg9 : memref<80xi32, #tpu.memory_space<vmem>>)
      %dma_start3A_193 = arith.constant 0 : i32
      %dma_start3A_194 = arith.constant 0 : i32
      %dma_start3A_195 = arith.constant 0 : i32
      %dma_start3A_196 = tpu.memref_slice %arg11[%dma_start3A_193, %dma_start3A_194, %dma_start3A_195] : memref<2x80x128xf32, #tpu.memory_space<vmem>> -> memref<1x80x128xf32, #tpu.memory_space<vmem>>
      %dma_start3A_197 = tpu.memref_squeeze %dma_start3A_196 : memref<1x80x128xf32, #tpu.memory_space<vmem>> -> memref<80x128xf32, #tpu.memory_space<vmem>>
      %dma_start3A_198 = arith.constant 0 : i32
      %dma_start3A_199 = tpu.memref_slice %arg5[%add3A_188, %dma_start3A_198] : memref<320000x128xf32, #tpu.memory_space<hbm>> -> memref<80x128xf32, #tpu.memory_space<hbm>>
      %dma_start3A_200 = arith.constant 0 : i32
      %dma_start3A_201 = arith.constant 0 : i32
      %dma_start3A_202 = tpu.memref_slice %arg11[%dma_start3A_193, %dma_start3A_200, %dma_start3A_201] : memref<2x80x128xf32, #tpu.memory_space<vmem>> -> memref<1x80x128xf32, #tpu.memory_space<vmem>>
      %dma_start3A_203 = tpu.memref_squeeze %dma_start3A_202 : memref<1x80x128xf32, #tpu.memory_space<vmem>> -> memref<80x128xf32, #tpu.memory_space<vmem>>
      %dma_start3A_204 = arith.constant 0 : i32
      %dma_start3A_205 = tpu.memref_slice %arg5[%add3A_188, %dma_start3A_204] : memref<320000x128xf32, #tpu.memory_space<hbm>> -> memref<80x128xf32, #tpu.memory_space<hbm>>
      tpu.enqueue_dma source(%dma_start3A_205 : memref<80x128xf32, #tpu.memory_space<hbm>>) target(%dma_start3A_203 : memref<80x128xf32, #tpu.memory_space<vmem>>) target_semaphore(%arg14 : memref<!tpu.dma_semaphore, #tpu.memory_space<semaphore_mem>>)
      %dma_start3A_206 = arith.constant 0 : i32
      %dma_start3A_207 = arith.constant 0 : i32
      %dma_start3A_208 = arith.constant 0 : i32
      %dma_start3A_209 = tpu.memref_slice %arg12[%dma_start3A_206, %dma_start3A_207, %dma_start3A_208] : memref<2x80x128xf32, #tpu.memory_space<vmem>> -> memref<1x80x128xf32, #tpu.memory_space<vmem>>
      %dma_start3A_210 = tpu.memref_squeeze %dma_start3A_209 : memref<1x80x128xf32, #tpu.memory_space<vmem>> -> memref<80x128xf32, #tpu.memory_space<vmem>>
      %dma_start3A_211 = arith.constant 0 : i32
      %dma_start3A_212 = arith.constant 0 : i32
      %dma_start3A_213 = tpu.memref_slice %arg2[%dma_start3A_211, %dma_start3A_212] : memref<10000x128xf32, #tpu.memory_space<hbm>> -> memref<10000x128xf32, #tpu.memory_space<hbm>>
      tpu.enqueue_indirect_dma source(%dma_start3A_213 : memref<10000x128xf32, #tpu.memory_space<hbm>>) target(%dma_start3A_210 : memref<80x128xf32, #tpu.memory_space<vmem>>) offsets(%arg7 : memref<80xi32, #tpu.memory_space<vmem>>) semaphore(%arg16 : memref<!tpu.dma_semaphore, #tpu.memory_space<semaphore_mem>>)
      %add3A_214 = arith.constant 1 : i32
      %add3A_215 = arith.addi %mul3A_113, %add3A_214 : i32
      %mul3A_216 = arith.constant 80 : i32
      %mul3A_217 = arith.muli %add3A_215, %mul3A_216 : i32
      %add3A_218 = arith.addi %add3A_32, %mul3A_217 : i32
      %dma_wait3A_219 = arith.constant 1 : i32
      %dma_wait3A_220 = arith.constant 0 : i32
      %dma_wait3A_221 = arith.constant 0 : i32
      %dma_wait3A_222 = tpu.memref_slice %arg11[%dma_wait3A_219, %dma_wait3A_220, %dma_wait3A_221] : memref<2x80x128xf32, #tpu.memory_space<vmem>> -> memref<1x80x128xf32, #tpu.memory_space<vmem>>
      %dma_wait3A_223 = tpu.memref_squeeze %dma_wait3A_222 : memref<1x80x128xf32, #tpu.memory_space<vmem>> -> memref<80x128xf32, #tpu.memory_space<vmem>>
      %dma_wait3A_224 = arith.constant 0 : i32
      %dma_wait3A_225 = tpu.memref_slice %arg5[%add3A_218, %dma_wait3A_224] : memref<320000x128xf32, #tpu.memory_space<hbm>> -> memref<80x128xf32, #tpu.memory_space<hbm>>
      %dma_wait3A_226 = arith.constant 0 : i32
      %dma_wait3A_227 = arith.constant 0 : i32
      %dma_wait3A_228 = tpu.memref_slice %arg11[%dma_wait3A_219, %dma_wait3A_226, %dma_wait3A_227] : memref<2x80x128xf32, #tpu.memory_space<vmem>> -> memref<1x80x128xf32, #tpu.memory_space<vmem>>
      %dma_wait3A_229 = tpu.memref_squeeze %dma_wait3A_228 : memref<1x80x128xf32, #tpu.memory_space<vmem>> -> memref<80x128xf32, #tpu.memory_space<vmem>>
      %dma_wait3A_230 = arith.constant 0 : i32
      %dma_wait3A_231 = tpu.memref_slice %arg5[%add3A_218, %dma_wait3A_230] : memref<320000x128xf32, #tpu.memory_space<hbm>> -> memref<80x128xf32, #tpu.memory_space<hbm>>
      tpu.wait_dma2 semaphore(%arg15 : memref<!tpu.dma_semaphore, #tpu.memory_space<semaphore_mem>>) src(%dma_wait3A_231 : memref<80x128xf32, #tpu.memory_space<hbm>>) dst(%dma_wait3A_229 : memref<80x128xf32, #tpu.memory_space<vmem>>)
      %dma_wait3A_232 = arith.constant 1 : i32
      %dma_wait3A_233 = arith.constant 0 : i32
      %dma_wait3A_234 = arith.constant 0 : i32
      %dma_wait3A_235 = tpu.memref_slice %arg12[%dma_wait3A_232, %dma_wait3A_233, %dma_wait3A_234] : memref<2x80x128xf32, #tpu.memory_space<vmem>> -> memref<1x80x128xf32, #tpu.memory_space<vmem>>
      %dma_wait3A_236 = tpu.memref_squeeze %dma_wait3A_235 : memref<1x80x128xf32, #tpu.memory_space<vmem>> -> memref<80x128xf32, #tpu.memory_space<vmem>>
      %dma_wait3A_237 = arith.constant 0 : i32
      %dma_wait3A_238 = arith.constant 0 : i32
      %dma_wait3A_239 = tpu.memref_slice %arg2[%dma_wait3A_237, %dma_wait3A_238] : memref<10000x128xf32, #tpu.memory_space<hbm>> -> memref<10000x128xf32, #tpu.memory_space<hbm>>
      tpu.wait_indirect_dma semaphore(%arg17 : memref<!tpu.dma_semaphore, #tpu.memory_space<semaphore_mem>>) src(%dma_wait3A_239 : memref<10000x128xf32, #tpu.memory_space<hbm>>) dst(%dma_wait3A_236 : memref<80x128xf32, #tpu.memory_space<vmem>>)
      %scan3A_240 = arith.constant 0 : i32
      %scan3A_241 = arith.constant 0 : i32
      %scan3A_242 = arith.constant 80 : i32
      %scan3A_243 = arith.addi %scan3A_241, %scan3A_242 : i32
      %scan3A_244 = arith.constant 1 : i32
      scf.for %scan3A_257 = %scan3A_241 to %scan3A_243 step %scan3A_244  : i32 {
        %get3A = arith.constant 1 : i32
        %get3A_258 = arith.index_cast %get3A : i32 to index
        %get3A_259 = arith.index_cast %scan3A_257 : i32 to index
        %get3A_260 = arith.constant 0 : index
        %get3A_261 = tpu.vector_load %arg11[%get3A_258, %get3A_259, %get3A_260] {strides = array<i32>} : memref<2x80x128xf32, #tpu.memory_space<vmem>>, vector<1x1x16xf32>,
        %get3A_262 = vector.shape_cast %get3A_261 : vector<1x1x16xf32> to vector<16xf32>
        %get3A_263 = arith.constant 1 : i32
        %get3A_264 = arith.index_cast %get3A_263 : i32 to index
        %get3A_265 = arith.index_cast %scan3A_257 : i32 to index
        %get3A_266 = arith.constant 0 : index
        %get3A_267 = tpu.vector_load %arg12[%get3A_264, %get3A_265, %get3A_266] {strides = array<i32>} : memref<2x80x128xf32, #tpu.memory_space<vmem>>, vector<1x1x16xf32>,
        %get3A_268 = vector.shape_cast %get3A_267 : vector<1x1x16xf32> to vector<16xf32>
        %add3A_269 = arith.addf %get3A_262, %get3A_268 : vector<16xf32>
        %max3A = arith.constant 0.000000e+00 : f32
        %max3A_270 = vector.broadcast %max3A : f32 to vector<16xf32>
        %max3A_271 = arith.maximumf %add3A_269, %max3A_270 : vector<16xf32>
        %swap3A = arith.constant 1 : i32
        %swap3A_272 = arith.index_cast %swap3A : i32 to index
        %swap3A_273 = arith.index_cast %scan3A_257 : i32 to index
        %swap3A_274 = arith.constant 0 : index
        %swap3A_275 = tpu.vector_load %arg11[%swap3A_272, %swap3A_273, %swap3A_274] {strides = array<i32>} : memref<2x80x128xf32, #tpu.memory_space<vmem>>, vector<1x1x16xf32>,
        %swap3A_276 = vector.shape_cast %swap3A_275 : vector<1x1x16xf32> to vector<16xf32>
        %swap3A_277 = vector.shape_cast %max3A_271 : vector<16xf32> to vector<1x1x16xf32>
        tpu.vector_store %arg11[%swap3A_272, %swap3A_273, %swap3A_274], %swap3A_277 {strides = array<i32>} : memref<2x80x128xf32, #tpu.memory_space<vmem>>, vector<1x1x16xf32>,
        %get3A_278 = arith.constant 1 : i32
        %get3A_279 = arith.index_cast %get3A_278 : i32 to index
        %get3A_280 = arith.index_cast %scan3A_257 : i32 to index
        %get3A_281 = arith.constant 16 : index
        %get3A_282 = tpu.vector_load %arg11[%get3A_279, %get3A_280, %get3A_281] {strides = array<i32>} : memref<2x80x128xf32, #tpu.memory_space<vmem>>, vector<1x1x16xf32>,
        %get3A_283 = vector.shape_cast %get3A_282 : vector<1x1x16xf32> to vector<16xf32>
        %get3A_284 = arith.constant 1 : i32
        %get3A_285 = arith.index_cast %get3A_284 : i32 to index
        %get3A_286 = arith.index_cast %scan3A_257 : i32 to index
        %get3A_287 = arith.constant 16 : index
        %get3A_288 = tpu.vector_load %arg12[%get3A_285, %get3A_286, %get3A_287] {strides = array<i32>} : memref<2x80x128xf32, #tpu.memory_space<vmem>>, vector<1x1x16xf32>,
        %get3A_289 = vector.shape_cast %get3A_288 : vector<1x1x16xf32> to vector<16xf32>
        %add3A_290 = arith.addf %get3A_283, %get3A_289 : vector<16xf32>
        %max3A_291 = arith.constant 0.000000e+00 : f32
        %max3A_292 = vector.broadcast %max3A_291 : f32 to vector<16xf32>
        %max3A_293 = arith.maximumf %add3A_290, %max3A_292 : vector<16xf32>
        %swap3A_294 = arith.constant 1 : i32
        %swap3A_295 = arith.index_cast %swap3A_294 : i32 to index
        %swap3A_296 = arith.index_cast %scan3A_257 : i32 to index
        %swap3A_297 = arith.constant 16 : index
        %swap3A_298 = tpu.vector_load %arg11[%swap3A_295, %swap3A_296, %swap3A_297] {strides = array<i32>} : memref<2x80x128xf32, #tpu.memory_space<vmem>>, vector<1x1x16xf32>,
        %swap3A_299 = vector.shape_cast %swap3A_298 : vector<1x1x16xf32> to vector<16xf32>
        %swap3A_300 = vector.shape_cast %max3A_293 : vector<16xf32> to vector<1x1x16xf32>
        tpu.vector_store %arg11[%swap3A_295, %swap3A_296, %swap3A_297], %swap3A_300 {strides = array<i32>} : memref<2x80x128xf32, #tpu.memory_space<vmem>>, vector<1x1x16xf32>,
        %get3A_301 = arith.constant 1 : i32
        %get3A_302 = arith.index_cast %get3A_301 : i32 to index
        %get3A_303 = arith.index_cast %scan3A_257 : i32 to index
        %get3A_304 = arith.constant 32 : index
        %get3A_305 = tpu.vector_load %arg11[%get3A_302, %get3A_303, %get3A_304] {strides = array<i32>} : memref<2x80x128xf32, #tpu.memory_space<vmem>>, vector<1x1x16xf32>,
        %get3A_306 = vector.shape_cast %get3A_305 : vector<1x1x16xf32> to vector<16xf32>
        %get3A_307 = arith.constant 1 : i32
        %get3A_308 = arith.index_cast %get3A_307 : i32 to index
        %get3A_309 = arith.index_cast %scan3A_257 : i32 to index
        %get3A_310 = arith.constant 32 : index
        %get3A_311 = tpu.vector_load %arg12[%get3A_308, %get3A_309, %get3A_310] {strides = array<i32>} : memref<2x80x128xf32, #tpu.memory_space<vmem>>, vector<1x1x16xf32>,
        %get3A_312 = vector.shape_cast %get3A_311 : vector<1x1x16xf32> to vector<16xf32>
        %add3A_313 = arith.addf %get3A_306, %get3A_312 : vector<16xf32>
        %max3A_314 = arith.constant 0.000000e+00 : f32
        %max3A_315 = vector.broadcast %max3A_314 : f32 to vector<16xf32>
        %max3A_316 = arith.maximumf %add3A_313, %max3A_315 : vector<16xf32>
        %swap3A_317 = arith.constant 1 : i32
        %swap3A_318 = arith.index_cast %swap3A_317 : i32 to index
        %swap3A_319 = arith.index_cast %scan3A_257 : i32 to index
        %swap3A_320 = arith.constant 32 : index
        %swap3A_321 = tpu.vector_load %arg11[%swap3A_318, %swap3A_319, %swap3A_320] {strides = array<i32>} : memref<2x80x128xf32, #tpu.memory_space<vmem>>, vector<1x1x16xf32>,
        %swap3A_322 = vector.shape_cast %swap3A_321 : vector<1x1x16xf32> to vector<16xf32>
        %swap3A_323 = vector.shape_cast %max3A_316 : vector<16xf32> to vector<1x1x16xf32>
        tpu.vector_store %arg11[%swap3A_318, %swap3A_319, %swap3A_320], %swap3A_323 {strides = array<i32>} : memref<2x80x128xf32, #tpu.memory_space<vmem>>, vector<1x1x16xf32>,
        %get3A_324 = arith.constant 1 : i32
        %get3A_325 = arith.index_cast %get3A_324 : i32 to index
        %get3A_326 = arith.index_cast %scan3A_257 : i32 to index
        %get3A_327 = arith.constant 48 : index
        %get3A_328 = tpu.vector_load %arg11[%get3A_325, %get3A_326, %get3A_327] {strides = array<i32>} : memref<2x80x128xf32, #tpu.memory_space<vmem>>, vector<1x1x16xf32>,
        %get3A_329 = vector.shape_cast %get3A_328 : vector<1x1x16xf32> to vector<16xf32>
        %get3A_330 = arith.constant 1 : i32
        %get3A_331 = arith.index_cast %get3A_330 : i32 to index
        %get3A_332 = arith.index_cast %scan3A_257 : i32 to index
        %get3A_333 = arith.constant 48 : index
        %get3A_334 = tpu.vector_load %arg12[%get3A_331, %get3A_332, %get3A_333] {strides = array<i32>} : memref<2x80x128xf32, #tpu.memory_space<vmem>>, vector<1x1x16xf32>,
        %get3A_335 = vector.shape_cast %get3A_334 : vector<1x1x16xf32> to vector<16xf32>
        %add3A_336 = arith.addf %get3A_329, %get3A_335 : vector<16xf32>
        %max3A_337 = arith.constant 0.000000e+00 : f32
        %max3A_338 = vector.broadcast %max3A_337 : f32 to vector<16xf32>
        %max3A_339 = arith.maximumf %add3A_336, %max3A_338 : vector<16xf32>
        %swap3A_340 = arith.constant 1 : i32
        %swap3A_341 = arith.index_cast %swap3A_340 : i32 to index
        %swap3A_342 = arith.index_cast %scan3A_257 : i32 to index
        %swap3A_343 = arith.constant 48 : index
        %swap3A_344 = tpu.vector_load %arg11[%swap3A_341, %swap3A_342, %swap3A_343] {strides = array<i32>} : memref<2x80x128xf32, #tpu.memory_space<vmem>>, vector<1x1x16xf32>,
        %swap3A_345 = vector.shape_cast %swap3A_344 : vector<1x1x16xf32> to vector<16xf32>
        %swap3A_346 = vector.shape_cast %max3A_339 : vector<16xf32> to vector<1x1x16xf32>
        tpu.vector_store %arg11[%swap3A_341, %swap3A_342, %swap3A_343], %swap3A_346 {strides = array<i32>} : memref<2x80x128xf32, #tpu.memory_space<vmem>>, vector<1x1x16xf32>,
        %get3A_347 = arith.constant 1 : i32
        %get3A_348 = arith.index_cast %get3A_347 : i32 to index
        %get3A_349 = arith.index_cast %scan3A_257 : i32 to index
        %get3A_350 = arith.constant 64 : index
        %get3A_351 = tpu.vector_load %arg11[%get3A_348, %get3A_349, %get3A_350] {strides = array<i32>} : memref<2x80x128xf32, #tpu.memory_space<vmem>>, vector<1x1x16xf32>,
        %get3A_352 = vector.shape_cast %get3A_351 : vector<1x1x16xf32> to vector<16xf32>
        %get3A_353 = arith.constant 1 : i32
        %get3A_354 = arith.index_cast %get3A_353 : i32 to index
        %get3A_355 = arith.index_cast %scan3A_257 : i32 to index
        %get3A_356 = arith.constant 64 : index
        %get3A_357 = tpu.vector_load %arg12[%get3A_354, %get3A_355, %get3A_356] {strides = array<i32>} : memref<2x80x128xf32, #tpu.memory_space<vmem>>, vector<1x1x16xf32>,
        %get3A_358 = vector.shape_cast %get3A_357 : vector<1x1x16xf32> to vector<16xf32>
        %add3A_359 = arith.addf %get3A_352, %get3A_358 : vector<16xf32>
        %max3A_360 = arith.constant 0.000000e+00 : f32
        %max3A_361 = vector.broadcast %max3A_360 : f32 to vector<16xf32>
        %max3A_362 = arith.maximumf %add3A_359, %max3A_361 : vector<16xf32>
        %swap3A_363 = arith.constant 1 : i32
        %swap3A_364 = arith.index_cast %swap3A_363 : i32 to index
        %swap3A_365 = arith.index_cast %scan3A_257 : i32 to index
        %swap3A_366 = arith.constant 64 : index
        %swap3A_367 = tpu.vector_load %arg11[%swap3A_364, %swap3A_365, %swap3A_366] {strides = array<i32>} : memref<2x80x128xf32, #tpu.memory_space<vmem>>, vector<1x1x16xf32>,
        %swap3A_368 = vector.shape_cast %swap3A_367 : vector<1x1x16xf32> to vector<16xf32>
        %swap3A_369 = vector.shape_cast %max3A_362 : vector<16xf32> to vector<1x1x16xf32>
        tpu.vector_store %arg11[%swap3A_364, %swap3A_365, %swap3A_366], %swap3A_369 {strides = array<i32>} : memref<2x80x128xf32, #tpu.memory_space<vmem>>, vector<1x1x16xf32>,
        %get3A_370 = arith.constant 1 : i32
        %get3A_371 = arith.index_cast %get3A_370 : i32 to index
        %get3A_372 = arith.index_cast %scan3A_257 : i32 to index
        %get3A_373 = arith.constant 80 : index
        %get3A_374 = tpu.vector_load %arg11[%get3A_371, %get3A_372, %get3A_373] {strides = array<i32>} : memref<2x80x128xf32, #tpu.memory_space<vmem>>, vector<1x1x16xf32>,
        %get3A_375 = vector.shape_cast %get3A_374 : vector<1x1x16xf32> to vector<16xf32>
        %get3A_376 = arith.constant 1 : i32
        %get3A_377 = arith.index_cast %get3A_376 : i32 to index
        %get3A_378 = arith.index_cast %scan3A_257 : i32 to index
        %get3A_379 = arith.constant 80 : index
        %get3A_380 = tpu.vector_load %arg12[%get3A_377, %get3A_378, %get3A_379] {strides = array<i32>} : memref<2x80x128xf32, #tpu.memory_space<vmem>>, vector<1x1x16xf32>,
        %get3A_381 = vector.shape_cast %get3A_380 : vector<1x1x16xf32> to vector<16xf32>
        %add3A_382 = arith.addf %get3A_375, %get3A_381 : vector<16xf32>
        %max3A_383 = arith.constant 0.000000e+00 : f32
        %max3A_384 = vector.broadcast %max3A_383 : f32 to vector<16xf32>
        %max3A_385 = arith.maximumf %add3A_382, %max3A_384 : vector<16xf32>
        %swap3A_386 = arith.constant 1 : i32
        %swap3A_387 = arith.index_cast %swap3A_386 : i32 to index
        %swap3A_388 = arith.index_cast %scan3A_257 : i32 to index
        %swap3A_389 = arith.constant 80 : index
        %swap3A_390 = tpu.vector_load %arg11[%swap3A_387, %swap3A_388, %swap3A_389] {strides = array<i32>} : memref<2x80x128xf32, #tpu.memory_space<vmem>>, vector<1x1x16xf32>,
        %swap3A_391 = vector.shape_cast %swap3A_390 : vector<1x1x16xf32> to vector<16xf32>
        %swap3A_392 = vector.shape_cast %max3A_385 : vector<16xf32> to vector<1x1x16xf32>
        tpu.vector_store %arg11[%swap3A_387, %swap3A_388, %swap3A_389], %swap3A_392 {strides = array<i32>} : memref<2x80x128xf32, #tpu.memory_space<vmem>>, vector<1x1x16xf32>,
        %get3A_393 = arith.constant 1 : i32
        %get3A_394 = arith.index_cast %get3A_393 : i32 to index
        %get3A_395 = arith.index_cast %scan3A_257 : i32 to index
        %get3A_396 = arith.constant 96 : index
        %get3A_397 = tpu.vector_load %arg11[%get3A_394, %get3A_395, %get3A_396] {strides = array<i32>} : memref<2x80x128xf32, #tpu.memory_space<vmem>>, vector<1x1x16xf32>,
        %get3A_398 = vector.shape_cast %get3A_397 : vector<1x1x16xf32> to vector<16xf32>
        %get3A_399 = arith.constant 1 : i32
        %get3A_400 = arith.index_cast %get3A_399 : i32 to index
        %get3A_401 = arith.index_cast %scan3A_257 : i32 to index
        %get3A_402 = arith.constant 96 : index
        %get3A_403 = tpu.vector_load %arg12[%get3A_400, %get3A_401, %get3A_402] {strides = array<i32>} : memref<2x80x128xf32, #tpu.memory_space<vmem>>, vector<1x1x16xf32>,
        %get3A_404 = vector.shape_cast %get3A_403 : vector<1x1x16xf32> to vector<16xf32>
        %add3A_405 = arith.addf %get3A_398, %get3A_404 : vector<16xf32>
        %max3A_406 = arith.constant 0.000000e+00 : f32
        %max3A_407 = vector.broadcast %max3A_406 : f32 to vector<16xf32>
        %max3A_408 = arith.maximumf %add3A_405, %max3A_407 : vector<16xf32>
        %swap3A_409 = arith.constant 1 : i32
        %swap3A_410 = arith.index_cast %swap3A_409 : i32 to index
        %swap3A_411 = arith.index_cast %scan3A_257 : i32 to index
        %swap3A_412 = arith.constant 96 : index
        %swap3A_413 = tpu.vector_load %arg11[%swap3A_410, %swap3A_411, %swap3A_412] {strides = array<i32>} : memref<2x80x128xf32, #tpu.memory_space<vmem>>, vector<1x1x16xf32>,
        %swap3A_414 = vector.shape_cast %swap3A_413 : vector<1x1x16xf32> to vector<16xf32>
        %swap3A_415 = vector.shape_cast %max3A_408 : vector<16xf32> to vector<1x1x16xf32>
        tpu.vector_store %arg11[%swap3A_410, %swap3A_411, %swap3A_412], %swap3A_415 {strides = array<i32>} : memref<2x80x128xf32, #tpu.memory_space<vmem>>, vector<1x1x16xf32>,
        %get3A_416 = arith.constant 1 : i32
        %get3A_417 = arith.index_cast %get3A_416 : i32 to index
        %get3A_418 = arith.index_cast %scan3A_257 : i32 to index
        %get3A_419 = arith.constant 112 : index
        %get3A_420 = tpu.vector_load %arg11[%get3A_417, %get3A_418, %get3A_419] {strides = array<i32>} : memref<2x80x128xf32, #tpu.memory_space<vmem>>, vector<1x1x16xf32>,
        %get3A_421 = vector.shape_cast %get3A_420 : vector<1x1x16xf32> to vector<16xf32>
        %get3A_422 = arith.constant 1 : i32
        %get3A_423 = arith.index_cast %get3A_422 : i32 to index
        %get3A_424 = arith.index_cast %scan3A_257 : i32 to index
        %get3A_425 = arith.constant 112 : index
        %get3A_426 = tpu.vector_load %arg12[%get3A_423, %get3A_424, %get3A_425] {strides = array<i32>} : memref<2x80x128xf32, #tpu.memory_space<vmem>>, vector<1x1x16xf32>,
        %get3A_427 = vector.shape_cast %get3A_426 : vector<1x1x16xf32> to vector<16xf32>
        %add3A_428 = arith.addf %get3A_421, %get3A_427 : vector<16xf32>
        %max3A_429 = arith.constant 0.000000e+00 : f32
        %max3A_430 = vector.broadcast %max3A_429 : f32 to vector<16xf32>
        %max3A_431 = arith.maximumf %add3A_428, %max3A_430 : vector<16xf32>
        %swap3A_432 = arith.constant 1 : i32
        %swap3A_433 = arith.index_cast %swap3A_432 : i32 to index
        %swap3A_434 = arith.index_cast %scan3A_257 : i32 to index
        %swap3A_435 = arith.constant 112 : index
        %swap3A_436 = tpu.vector_load %arg11[%swap3A_433, %swap3A_434, %swap3A_435] {strides = array<i32>} : memref<2x80x128xf32, #tpu.memory_space<vmem>>, vector<1x1x16xf32>,
        %swap3A_437 = vector.shape_cast %swap3A_436 : vector<1x1x16xf32> to vector<16xf32>
        %swap3A_438 = vector.shape_cast %max3A_431 : vector<16xf32> to vector<1x1x16xf32>
        tpu.vector_store %arg11[%swap3A_433, %swap3A_434, %swap3A_435], %swap3A_438 {strides = array<i32>} : memref<2x80x128xf32, #tpu.memory_space<vmem>>, vector<1x1x16xf32>,
      }
      %scan3A_245 = arith.constant 80 : i32
      %run_scoped3A_246 = arith.constant 1 : i32
      "tpu.region"() ({
        %run_scoped3A_257 = tpu.sem_alloc : memref<!tpu.dma_semaphore, #tpu.memory_space<semaphore_mem>>
        %dma_start3A_258 = arith.constant 0 : i32
        %dma_start3A_259 = arith.constant 0 : i32
        %dma_start3A_260 = tpu.memref_slice %arg11[%run_scoped3A_246, %dma_start3A_258, %dma_start3A_259] : memref<2x80x128xf32, #tpu.memory_space<vmem>> -> memref<1x80x128xf32, #tpu.memory_space<vmem>>
        %dma_start3A_261 = tpu.memref_squeeze %dma_start3A_260 : memref<1x80x128xf32, #tpu.memory_space<vmem>> -> memref<80x128xf32, #tpu.memory_space<vmem>>
        %dma_start3A_262 = arith.constant 0 : i32
        %dma_start3A_263 = arith.constant 0 : i32
        %dma_start3A_264 = tpu.memref_slice %arg13[%dma_start3A_262, %dma_start3A_263] : memref<10240x128xf32, #tpu.memory_space<vmem_shared>> -> memref<10240x128xf32, #tpu.memory_space<vmem_shared>>
        tpu.enqueue_indirect_dma source(%dma_start3A_261 : memref<80x128xf32, #tpu.memory_space<vmem>>) target(%dma_start3A_264 : memref<10240x128xf32, #tpu.memory_space<vmem_shared>>) offsets(%arg10 : memref<80xi32, #tpu.memory_space<vmem>>) semaphore(%run_scoped3A_257 : memref<!tpu.dma_semaphore, #tpu.memory_space<semaphore_mem>>) {add = true}
        %dma_wait3A_265 = arith.constant 0 : i32
        %dma_wait3A_266 = arith.constant 0 : i32
        %dma_wait3A_267 = tpu.memref_slice %arg11[%run_scoped3A_246, %dma_wait3A_265, %dma_wait3A_266] : memref<2x80x128xf32, #tpu.memory_space<vmem>> -> memref<1x80x128xf32, #tpu.memory_space<vmem>>
        %dma_wait3A_268 = tpu.memref_squeeze %dma_wait3A_267 : memref<1x80x128xf32, #tpu.memory_space<vmem>> -> memref<80x128xf32, #tpu.memory_space<vmem>>
        %dma_wait3A_269 = arith.constant 0 : i32
        %dma_wait3A_270 = arith.constant 0 : i32
        %dma_wait3A_271 = tpu.memref_slice %arg13[%dma_wait3A_269, %dma_wait3A_270] : memref<10240x128xf32, #tpu.memory_space<vmem_shared>> -> memref<10240x128xf32, #tpu.memory_space<vmem_shared>>
        tpu.wait_indirect_dma semaphore(%run_scoped3A_257 : memref<!tpu.dma_semaphore, #tpu.memory_space<semaphore_mem>>) src(%dma_wait3A_268 : memref<80x128xf32, #tpu.memory_space<vmem>>) dst(%dma_wait3A_271 : memref<10240x128xf32, #tpu.memory_space<vmem_shared>>)
        tpu.yield
      }) : () -> ()
      %add3A_247 = arith.constant 3 : i32
      %add3A_248 = arith.addi %mul3A_113, %add3A_247 : i32
      %min3A = arith.constant 124 : i32
      %min3A_249 = arith.minsi %add3A_248, %min3A : i32
      %mul3A_250 = arith.constant 80 : i32
      %mul3A_251 = arith.muli %min3A_249, %mul3A_250 : i32
      %add3A_252 = arith.addi %add3A_32, %mul3A_251 : i32
      %dma_start3A_253 = tpu.memref_slice %arg3[%add3A_252] : memref<320000xi32, #tpu.memory_space<hbm>> -> memref<80xi32, #tpu.memory_space<hbm>>
      %dma_start3A_254 = tpu.memref_slice %arg3[%add3A_252] : memref<320000xi32, #tpu.memory_space<hbm>> -> memref<80xi32, #tpu.memory_space<hbm>>
      tpu.enqueue_dma source(%dma_start3A_254 : memref<80xi32, #tpu.memory_space<hbm>>) target(%arg8 : memref<80xi32, #tpu.memory_space<vmem>>) target_semaphore(%arg19 : memref<!tpu.dma_semaphore, #tpu.memory_space<semaphore_mem>>)
      %dma_start3A_255 = tpu.memref_slice %arg4[%add3A_252] : memref<320000xi32, #tpu.memory_space<hbm>> -> memref<80xi32, #tpu.memory_space<hbm>>
      %dma_start3A_256 = tpu.memref_slice %arg4[%add3A_252] : memref<320000xi32, #tpu.memory_space<hbm>> -> memref<80xi32, #tpu.memory_space<hbm>>
      tpu.enqueue_dma source(%dma_start3A_256 : memref<80xi32, #tpu.memory_space<hbm>>) target(%arg10 : memref<80xi32, #tpu.memory_space<vmem>>) target_semaphore(%arg19 : memref<!tpu.dma_semaphore, #tpu.memory_space<semaphore_mem>>)
    }
    %scan3A_75 = arith.constant 62 : i32
    %add3A_76 = arith.constant 9920 : i32
    %add3A_77 = arith.addi %add3A_32, %add3A_76 : i32
    %dma_wait3A_78 = arith.constant 0 : i32
    %dma_wait3A_79 = arith.constant 0 : i32
    %dma_wait3A_80 = arith.constant 0 : i32
    %dma_wait3A_81 = tpu.memref_slice %arg11[%dma_wait3A_78, %dma_wait3A_79, %dma_wait3A_80] : memref<2x80x128xf32, #tpu.memory_space<vmem>> -> memref<1x80x128xf32, #tpu.memory_space<vmem>>
    %dma_wait3A_82 = tpu.memref_squeeze %dma_wait3A_81 : memref<1x80x128xf32, #tpu.memory_space<vmem>> -> memref<80x128xf32, #tpu.memory_space<vmem>>
    %dma_wait3A_83 = arith.constant 0 : i32
    %dma_wait3A_84 = tpu.memref_slice %arg5[%add3A_77, %dma_wait3A_83] : memref<320000x128xf32, #tpu.memory_space<hbm>> -> memref<80x128xf32, #tpu.memory_space<hbm>>
    %dma_wait3A_85 = arith.constant 0 : i32
    %dma_wait3A_86 = arith.constant 0 : i32
    %dma_wait3A_87 = tpu.memref_slice %arg11[%dma_wait3A_78, %dma_wait3A_85, %dma_wait3A_86] : memref<2x80x128xf32, #tpu.memory_space<vmem>> -> memref<1x80x128xf32, #tpu.memory_space<vmem>>
    %dma_wait3A_88 = tpu.memref_squeeze %dma_wait3A_87 : memref<1x80x128xf32, #tpu.memory_space<vmem>> -> memref<80x128xf32, #tpu.memory_space<vmem>>
    %dma_wait3A_89 = arith.constant 0 : i32
    %dma_wait3A_90 = tpu.memref_slice %arg5[%add3A_77, %dma_wait3A_89] : memref<320000x128xf32, #tpu.memory_space<hbm>> -> memref<80x128xf32, #tpu.memory_space<hbm>>
    tpu.wait_dma2 semaphore(%arg14 : memref<!tpu.dma_semaphore, #tpu.memory_space<semaphore_mem>>) src(%dma_wait3A_90 : memref<80x128xf32, #tpu.memory_space<hbm>>) dst(%dma_wait3A_88 : memref<80x128xf32, #tpu.memory_space<vmem>>)
    %dma_wait3A_91 = arith.constant 0 : i32
    %dma_wait3A_92 = arith.constant 0 : i32
    %dma_wait3A_93 = arith.constant 0 : i32
    %dma_wait3A_94 = tpu.memref_slice %arg12[%dma_wait3A_91, %dma_wait3A_92, %dma_wait3A_93] : memref<2x80x128xf32, #tpu.memory_space<vmem>> -> memref<1x80x128xf32, #tpu.memory_space<vmem>>
    %dma_wait3A_95 = tpu.memref_squeeze %dma_wait3A_94 : memref<1x80x128xf32, #tpu.memory_space<vmem>> -> memref<80x128xf32, #tpu.memory_space<vmem>>
    %dma_wait3A_96 = arith.constant 0 : i32
    %dma_wait3A_97 = arith.constant 0 : i32
    %dma_wait3A_98 = tpu.memref_slice %arg2[%dma_wait3A_96, %dma_wait3A_97] : memref<10000x128xf32, #tpu.memory_space<hbm>> -> memref<10000x128xf32, #tpu.memory_space<hbm>>
    tpu.wait_indirect_dma semaphore(%arg16 : memref<!tpu.dma_semaphore, #tpu.memory_space<semaphore_mem>>) src(%dma_wait3A_98 : memref<10000x128xf32, #tpu.memory_space<hbm>>) dst(%dma_wait3A_95 : memref<80x128xf32, #tpu.memory_space<vmem>>)
    %scan3A_99 = arith.constant 0 : i32
    %scan3A_100 = arith.constant 0 : i32
    %scan3A_101 = arith.constant 80 : i32
    %scan3A_102 = arith.addi %scan3A_100, %scan3A_101 : i32
    %scan3A_103 = arith.constant 1 : i32
    scf.for %scan3A_111 = %scan3A_100 to %scan3A_102 step %scan3A_103  : i32 {
      %get3A = arith.constant 0 : i32
      %get3A_112 = arith.index_cast %get3A : i32 to index
      %get3A_113 = arith.index_cast %scan3A_111 : i32 to index
      %get3A_114 = arith.constant 0 : index
      %get3A_115 = tpu.vector_load %arg11[%get3A_112, %get3A_113, %get3A_114] {strides = array<i32>} : memref<2x80x128xf32, #tpu.memory_space<vmem>>, vector<1x1x16xf32>,
      %get3A_116 = vector.shape_cast %get3A_115 : vector<1x1x16xf32> to vector<16xf32>
      %get3A_117 = arith.constant 0 : i32
      %get3A_118 = arith.index_cast %get3A_117 : i32 to index
      %get3A_119 = arith.index_cast %scan3A_111 : i32 to index
      %get3A_120 = arith.constant 0 : index
      %get3A_121 = tpu.vector_load %arg12[%get3A_118, %get3A_119, %get3A_120] {strides = array<i32>} : memref<2x80x128xf32, #tpu.memory_space<vmem>>, vector<1x1x16xf32>,
      %get3A_122 = vector.shape_cast %get3A_121 : vector<1x1x16xf32> to vector<16xf32>
      %add3A_123 = arith.addf %get3A_116, %get3A_122 : vector<16xf32>
      %max3A = arith.constant 0.000000e+00 : f32
      %max3A_124 = vector.broadcast %max3A : f32 to vector<16xf32>
      %max3A_125 = arith.maximumf %add3A_123, %max3A_124 : vector<16xf32>
      %swap3A = arith.constant 0 : i32
      %swap3A_126 = arith.index_cast %swap3A : i32 to index
      %swap3A_127 = arith.index_cast %scan3A_111 : i32 to index
      %swap3A_128 = arith.constant 0 : index
      %swap3A_129 = tpu.vector_load %arg11[%swap3A_126, %swap3A_127, %swap3A_128] {strides = array<i32>} : memref<2x80x128xf32, #tpu.memory_space<vmem>>, vector<1x1x16xf32>,
      %swap3A_130 = vector.shape_cast %swap3A_129 : vector<1x1x16xf32> to vector<16xf32>
      %swap3A_131 = vector.shape_cast %max3A_125 : vector<16xf32> to vector<1x1x16xf32>
      tpu.vector_store %arg11[%swap3A_126, %swap3A_127, %swap3A_128], %swap3A_131 {strides = array<i32>} : memref<2x80x128xf32, #tpu.memory_space<vmem>>, vector<1x1x16xf32>,
      %get3A_132 = arith.constant 0 : i32
      %get3A_133 = arith.index_cast %get3A_132 : i32 to index
      %get3A_134 = arith.index_cast %scan3A_111 : i32 to index
      %get3A_135 = arith.constant 16 : index
      %get3A_136 = tpu.vector_load %arg11[%get3A_133, %get3A_134, %get3A_135] {strides = array<i32>} : memref<2x80x128xf32, #tpu.memory_space<vmem>>, vector<1x1x16xf32>,
      %get3A_137 = vector.shape_cast %get3A_136 : vector<1x1x16xf32> to vector<16xf32>
      %get3A_138 = arith.constant 0 : i32
      %get3A_139 = arith.index_cast %get3A_138 : i32 to index
      %get3A_140 = arith.index_cast %scan3A_111 : i32 to index
      %get3A_141 = arith.constant 16 : index
      %get3A_142 = tpu.vector_load %arg12[%get3A_139, %get3A_140, %get3A_141] {strides = array<i32>} : memref<2x80x128xf32, #tpu.memory_space<vmem>>, vector<1x1x16xf32>,
      %get3A_143 = vector.shape_cast %get3A_142 : vector<1x1x16xf32> to vector<16xf32>
      %add3A_144 = arith.addf %get3A_137, %get3A_143 : vector<16xf32>
      %max3A_145 = arith.constant 0.000000e+00 : f32
      %max3A_146 = vector.broadcast %max3A_145 : f32 to vector<16xf32>
      %max3A_147 = arith.maximumf %add3A_144, %max3A_146 : vector<16xf32>
      %swap3A_148 = arith.constant 0 : i32
      %swap3A_149 = arith.index_cast %swap3A_148 : i32 to index
      %swap3A_150 = arith.index_cast %scan3A_111 : i32 to index
      %swap3A_151 = arith.constant 16 : index
      %swap3A_152 = tpu.vector_load %arg11[%swap3A_149, %swap3A_150, %swap3A_151] {strides = array<i32>} : memref<2x80x128xf32, #tpu.memory_space<vmem>>, vector<1x1x16xf32>,
      %swap3A_153 = vector.shape_cast %swap3A_152 : vector<1x1x16xf32> to vector<16xf32>
      %swap3A_154 = vector.shape_cast %max3A_147 : vector<16xf32> to vector<1x1x16xf32>
      tpu.vector_store %arg11[%swap3A_149, %swap3A_150, %swap3A_151], %swap3A_154 {strides = array<i32>} : memref<2x80x128xf32, #tpu.memory_space<vmem>>, vector<1x1x16xf32>,
      %get3A_155 = arith.constant 0 : i32
      %get3A_156 = arith.index_cast %get3A_155 : i32 to index
      %get3A_157 = arith.index_cast %scan3A_111 : i32 to index
      %get3A_158 = arith.constant 32 : index
      %get3A_159 = tpu.vector_load %arg11[%get3A_156, %get3A_157, %get3A_158] {strides = array<i32>} : memref<2x80x128xf32, #tpu.memory_space<vmem>>, vector<1x1x16xf32>,
      %get3A_160 = vector.shape_cast %get3A_159 : vector<1x1x16xf32> to vector<16xf32>
      %get3A_161 = arith.constant 0 : i32
      %get3A_162 = arith.index_cast %get3A_161 : i32 to index
      %get3A_163 = arith.index_cast %scan3A_111 : i32 to index
      %get3A_164 = arith.constant 32 : index
      %get3A_165 = tpu.vector_load %arg12[%get3A_162, %get3A_163, %get3A_164] {strides = array<i32>} : memref<2x80x128xf32, #tpu.memory_space<vmem>>, vector<1x1x16xf32>,
      %get3A_166 = vector.shape_cast %get3A_165 : vector<1x1x16xf32> to vector<16xf32>
      %add3A_167 = arith.addf %get3A_160, %get3A_166 : vector<16xf32>
      %max3A_168 = arith.constant 0.000000e+00 : f32
      %max3A_169 = vector.broadcast %max3A_168 : f32 to vector<16xf32>
      %max3A_170 = arith.maximumf %add3A_167, %max3A_169 : vector<16xf32>
      %swap3A_171 = arith.constant 0 : i32
      %swap3A_172 = arith.index_cast %swap3A_171 : i32 to index
      %swap3A_173 = arith.index_cast %scan3A_111 : i32 to index
      %swap3A_174 = arith.constant 32 : index
      %swap3A_175 = tpu.vector_load %arg11[%swap3A_172, %swap3A_173, %swap3A_174] {strides = array<i32>} : memref<2x80x128xf32, #tpu.memory_space<vmem>>, vector<1x1x16xf32>,
      %swap3A_176 = vector.shape_cast %swap3A_175 : vector<1x1x16xf32> to vector<16xf32>
      %swap3A_177 = vector.shape_cast %max3A_170 : vector<16xf32> to vector<1x1x16xf32>
      tpu.vector_store %arg11[%swap3A_172, %swap3A_173, %swap3A_174], %swap3A_177 {strides = array<i32>} : memref<2x80x128xf32, #tpu.memory_space<vmem>>, vector<1x1x16xf32>,
      %get3A_178 = arith.constant 0 : i32
      %get3A_179 = arith.index_cast %get3A_178 : i32 to index
      %get3A_180 = arith.index_cast %scan3A_111 : i32 to index
      %get3A_181 = arith.constant 48 : index
      %get3A_182 = tpu.vector_load %arg11[%get3A_179, %get3A_180, %get3A_181] {strides = array<i32>} : memref<2x80x128xf32, #tpu.memory_space<vmem>>, vector<1x1x16xf32>,
      %get3A_183 = vector.shape_cast %get3A_182 : vector<1x1x16xf32> to vector<16xf32>
      %get3A_184 = arith.constant 0 : i32
      %get3A_185 = arith.index_cast %get3A_184 : i32 to index
      %get3A_186 = arith.index_cast %scan3A_111 : i32 to index
      %get3A_187 = arith.constant 48 : index
      %get3A_188 = tpu.vector_load %arg12[%get3A_185, %get3A_186, %get3A_187] {strides = array<i32>} : memref<2x80x128xf32, #tpu.memory_space<vmem>>, vector<1x1x16xf32>,
      %get3A_189 = vector.shape_cast %get3A_188 : vector<1x1x16xf32> to vector<16xf32>
      %add3A_190 = arith.addf %get3A_183, %get3A_189 : vector<16xf32>
      %max3A_191 = arith.constant 0.000000e+00 : f32
      %max3A_192 = vector.broadcast %max3A_191 : f32 to vector<16xf32>
      %max3A_193 = arith.maximumf %add3A_190, %max3A_192 : vector<16xf32>
      %swap3A_194 = arith.constant 0 : i32
      %swap3A_195 = arith.index_cast %swap3A_194 : i32 to index
      %swap3A_196 = arith.index_cast %scan3A_111 : i32 to index
      %swap3A_197 = arith.constant 48 : index
      %swap3A_198 = tpu.vector_load %arg11[%swap3A_195, %swap3A_196, %swap3A_197] {strides = array<i32>} : memref<2x80x128xf32, #tpu.memory_space<vmem>>, vector<1x1x16xf32>,
      %swap3A_199 = vector.shape_cast %swap3A_198 : vector<1x1x16xf32> to vector<16xf32>
      %swap3A_200 = vector.shape_cast %max3A_193 : vector<16xf32> to vector<1x1x16xf32>
      tpu.vector_store %arg11[%swap3A_195, %swap3A_196, %swap3A_197], %swap3A_200 {strides = array<i32>} : memref<2x80x128xf32, #tpu.memory_space<vmem>>, vector<1x1x16xf32>,
      %get3A_201 = arith.constant 0 : i32
      %get3A_202 = arith.index_cast %get3A_201 : i32 to index
      %get3A_203 = arith.index_cast %scan3A_111 : i32 to index
      %get3A_204 = arith.constant 64 : index
      %get3A_205 = tpu.vector_load %arg11[%get3A_202, %get3A_203, %get3A_204] {strides = array<i32>} : memref<2x80x128xf32, #tpu.memory_space<vmem>>, vector<1x1x16xf32>,
      %get3A_206 = vector.shape_cast %get3A_205 : vector<1x1x16xf32> to vector<16xf32>
      %get3A_207 = arith.constant 0 : i32
      %get3A_208 = arith.index_cast %get3A_207 : i32 to index
      %get3A_209 = arith.index_cast %scan3A_111 : i32 to index
      %get3A_210 = arith.constant 64 : index
      %get3A_211 = tpu.vector_load %arg12[%get3A_208, %get3A_209, %get3A_210] {strides = array<i32>} : memref<2x80x128xf32, #tpu.memory_space<vmem>>, vector<1x1x16xf32>,
      %get3A_212 = vector.shape_cast %get3A_211 : vector<1x1x16xf32> to vector<16xf32>
      %add3A_213 = arith.addf %get3A_206, %get3A_212 : vector<16xf32>
      %max3A_214 = arith.constant 0.000000e+00 : f32
      %max3A_215 = vector.broadcast %max3A_214 : f32 to vector<16xf32>
      %max3A_216 = arith.maximumf %add3A_213, %max3A_215 : vector<16xf32>
      %swap3A_217 = arith.constant 0 : i32
      %swap3A_218 = arith.index_cast %swap3A_217 : i32 to index
      %swap3A_219 = arith.index_cast %scan3A_111 : i32 to index
      %swap3A_220 = arith.constant 64 : index
      %swap3A_221 = tpu.vector_load %arg11[%swap3A_218, %swap3A_219, %swap3A_220] {strides = array<i32>} : memref<2x80x128xf32, #tpu.memory_space<vmem>>, vector<1x1x16xf32>,
      %swap3A_222 = vector.shape_cast %swap3A_221 : vector<1x1x16xf32> to vector<16xf32>
      %swap3A_223 = vector.shape_cast %max3A_216 : vector<16xf32> to vector<1x1x16xf32>
      tpu.vector_store %arg11[%swap3A_218, %swap3A_219, %swap3A_220], %swap3A_223 {strides = array<i32>} : memref<2x80x128xf32, #tpu.memory_space<vmem>>, vector<1x1x16xf32>,
      %get3A_224 = arith.constant 0 : i32
      %get3A_225 = arith.index_cast %get3A_224 : i32 to index
      %get3A_226 = arith.index_cast %scan3A_111 : i32 to index
      %get3A_227 = arith.constant 80 : index
      %get3A_228 = tpu.vector_load %arg11[%get3A_225, %get3A_226, %get3A_227] {strides = array<i32>} : memref<2x80x128xf32, #tpu.memory_space<vmem>>, vector<1x1x16xf32>,
      %get3A_229 = vector.shape_cast %get3A_228 : vector<1x1x16xf32> to vector<16xf32>
      %get3A_230 = arith.constant 0 : i32
      %get3A_231 = arith.index_cast %get3A_230 : i32 to index
      %get3A_232 = arith.index_cast %scan3A_111 : i32 to index
      %get3A_233 = arith.constant 80 : index
      %get3A_234 = tpu.vector_load %arg12[%get3A_231, %get3A_232, %get3A_233] {strides = array<i32>} : memref<2x80x128xf32, #tpu.memory_space<vmem>>, vector<1x1x16xf32>,
      %get3A_235 = vector.shape_cast %get3A_234 : vector<1x1x16xf32> to vector<16xf32>
      %add3A_236 = arith.addf %get3A_229, %get3A_235 : vector<16xf32>
      %max3A_237 = arith.constant 0.000000e+00 : f32
      %max3A_238 = vector.broadcast %max3A_237 : f32 to vector<16xf32>
      %max3A_239 = arith.maximumf %add3A_236, %max3A_238 : vector<16xf32>
      %swap3A_240 = arith.constant 0 : i32
      %swap3A_241 = arith.index_cast %swap3A_240 : i32 to index
      %swap3A_242 = arith.index_cast %scan3A_111 : i32 to index
      %swap3A_243 = arith.constant 80 : index
      %swap3A_244 = tpu.vector_load %arg11[%swap3A_241, %swap3A_242, %swap3A_243] {strides = array<i32>} : memref<2x80x128xf32, #tpu.memory_space<vmem>>, vector<1x1x16xf32>,
      %swap3A_245 = vector.shape_cast %swap3A_244 : vector<1x1x16xf32> to vector<16xf32>
      %swap3A_246 = vector.shape_cast %max3A_239 : vector<16xf32> to vector<1x1x16xf32>
      tpu.vector_store %arg11[%swap3A_241, %swap3A_242, %swap3A_243], %swap3A_246 {strides = array<i32>} : memref<2x80x128xf32, #tpu.memory_space<vmem>>, vector<1x1x16xf32>,
      %get3A_247 = arith.constant 0 : i32
      %get3A_248 = arith.index_cast %get3A_247 : i32 to index
      %get3A_249 = arith.index_cast %scan3A_111 : i32 to index
      %get3A_250 = arith.constant 96 : index
      %get3A_251 = tpu.vector_load %arg11[%get3A_248, %get3A_249, %get3A_250] {strides = array<i32>} : memref<2x80x128xf32, #tpu.memory_space<vmem>>, vector<1x1x16xf32>,
      %get3A_252 = vector.shape_cast %get3A_251 : vector<1x1x16xf32> to vector<16xf32>
      %get3A_253 = arith.constant 0 : i32
      %get3A_254 = arith.index_cast %get3A_253 : i32 to index
      %get3A_255 = arith.index_cast %scan3A_111 : i32 to index
      %get3A_256 = arith.constant 96 : index
      %get3A_257 = tpu.vector_load %arg12[%get3A_254, %get3A_255, %get3A_256] {strides = array<i32>} : memref<2x80x128xf32, #tpu.memory_space<vmem>>, vector<1x1x16xf32>,
      %get3A_258 = vector.shape_cast %get3A_257 : vector<1x1x16xf32> to vector<16xf32>
      %add3A_259 = arith.addf %get3A_252, %get3A_258 : vector<16xf32>
      %max3A_260 = arith.constant 0.000000e+00 : f32
      %max3A_261 = vector.broadcast %max3A_260 : f32 to vector<16xf32>
      %max3A_262 = arith.maximumf %add3A_259, %max3A_261 : vector<16xf32>
      %swap3A_263 = arith.constant 0 : i32
      %swap3A_264 = arith.index_cast %swap3A_263 : i32 to index
      %swap3A_265 = arith.index_cast %scan3A_111 : i32 to index
      %swap3A_266 = arith.constant 96 : index
      %swap3A_267 = tpu.vector_load %arg11[%swap3A_264, %swap3A_265, %swap3A_266] {strides = array<i32>} : memref<2x80x128xf32, #tpu.memory_space<vmem>>, vector<1x1x16xf32>,
      %swap3A_268 = vector.shape_cast %swap3A_267 : vector<1x1x16xf32> to vector<16xf32>
      %swap3A_269 = vector.shape_cast %max3A_262 : vector<16xf32> to vector<1x1x16xf32>
      tpu.vector_store %arg11[%swap3A_264, %swap3A_265, %swap3A_266], %swap3A_269 {strides = array<i32>} : memref<2x80x128xf32, #tpu.memory_space<vmem>>, vector<1x1x16xf32>,
      %get3A_270 = arith.constant 0 : i32
      %get3A_271 = arith.index_cast %get3A_270 : i32 to index
      %get3A_272 = arith.index_cast %scan3A_111 : i32 to index
      %get3A_273 = arith.constant 112 : index
      %get3A_274 = tpu.vector_load %arg11[%get3A_271, %get3A_272, %get3A_273] {strides = array<i32>} : memref<2x80x128xf32, #tpu.memory_space<vmem>>, vector<1x1x16xf32>,
      %get3A_275 = vector.shape_cast %get3A_274 : vector<1x1x16xf32> to vector<16xf32>
      %get3A_276 = arith.constant 0 : i32
      %get3A_277 = arith.index_cast %get3A_276 : i32 to index
      %get3A_278 = arith.index_cast %scan3A_111 : i32 to index
      %get3A_279 = arith.constant 112 : index
      %get3A_280 = tpu.vector_load %arg12[%get3A_277, %get3A_278, %get3A_279] {strides = array<i32>} : memref<2x80x128xf32, #tpu.memory_space<vmem>>, vector<1x1x16xf32>,
      %get3A_281 = vector.shape_cast %get3A_280 : vector<1x1x16xf32> to vector<16xf32>
      %add3A_282 = arith.addf %get3A_275, %get3A_281 : vector<16xf32>
      %max3A_283 = arith.constant 0.000000e+00 : f32
      %max3A_284 = vector.broadcast %max3A_283 : f32 to vector<16xf32>
      %max3A_285 = arith.maximumf %add3A_282, %max3A_284 : vector<16xf32>
      %swap3A_286 = arith.constant 0 : i32
      %swap3A_287 = arith.index_cast %swap3A_286 : i32 to index
      %swap3A_288 = arith.index_cast %scan3A_111 : i32 to index
      %swap3A_289 = arith.constant 112 : index
      %swap3A_290 = tpu.vector_load %arg11[%swap3A_287, %swap3A_288, %swap3A_289] {strides = array<i32>} : memref<2x80x128xf32, #tpu.memory_space<vmem>>, vector<1x1x16xf32>,
      %swap3A_291 = vector.shape_cast %swap3A_290 : vector<1x1x16xf32> to vector<16xf32>
      %swap3A_292 = vector.shape_cast %max3A_285 : vector<16xf32> to vector<1x1x16xf32>
      tpu.vector_store %arg11[%swap3A_287, %swap3A_288, %swap3A_289], %swap3A_292 {strides = array<i32>} : memref<2x80x128xf32, #tpu.memory_space<vmem>>, vector<1x1x16xf32>,
    }
    %scan3A_104 = arith.constant 80 : i32
    %run_scoped3A_105 = arith.constant 0 : i32
    "tpu.region"() ({
      %run_scoped3A_111 = tpu.sem_alloc : memref<!tpu.dma_semaphore, #tpu.memory_space<semaphore_mem>>
      %dma_start3A_112 = arith.constant 0 : i32
      %dma_start3A_113 = arith.constant 0 : i32
      %dma_start3A_114 = tpu.memref_slice %arg11[%run_scoped3A_105, %dma_start3A_112, %dma_start3A_113] : memref<2x80x128xf32, #tpu.memory_space<vmem>> -> memref<1x80x128xf32, #tpu.memory_space<vmem>>
      %dma_start3A_115 = tpu.memref_squeeze %dma_start3A_114 : memref<1x80x128xf32, #tpu.memory_space<vmem>> -> memref<80x128xf32, #tpu.memory_space<vmem>>
      %dma_start3A_116 = arith.constant 0 : i32
      %dma_start3A_117 = arith.constant 0 : i32
      %dma_start3A_118 = tpu.memref_slice %arg13[%dma_start3A_116, %dma_start3A_117] : memref<10240x128xf32, #tpu.memory_space<vmem_shared>> -> memref<10240x128xf32, #tpu.memory_space<vmem_shared>>
      tpu.enqueue_indirect_dma source(%dma_start3A_115 : memref<80x128xf32, #tpu.memory_space<vmem>>) target(%dma_start3A_118 : memref<10240x128xf32, #tpu.memory_space<vmem_shared>>) offsets(%arg9 : memref<80xi32, #tpu.memory_space<vmem>>) semaphore(%run_scoped3A_111 : memref<!tpu.dma_semaphore, #tpu.memory_space<semaphore_mem>>) {add = true}
      %dma_wait3A_119 = arith.constant 0 : i32
      %dma_wait3A_120 = arith.constant 0 : i32
      %dma_wait3A_121 = tpu.memref_slice %arg11[%run_scoped3A_105, %dma_wait3A_119, %dma_wait3A_120] : memref<2x80x128xf32, #tpu.memory_space<vmem>> -> memref<1x80x128xf32, #tpu.memory_space<vmem>>
      %dma_wait3A_122 = tpu.memref_squeeze %dma_wait3A_121 : memref<1x80x128xf32, #tpu.memory_space<vmem>> -> memref<80x128xf32, #tpu.memory_space<vmem>>
      %dma_wait3A_123 = arith.constant 0 : i32
      %dma_wait3A_124 = arith.constant 0 : i32
      %dma_wait3A_125 = tpu.memref_slice %arg13[%dma_wait3A_123, %dma_wait3A_124] : memref<10240x128xf32, #tpu.memory_space<vmem_shared>> -> memref<10240x128xf32, #tpu.memory_space<vmem_shared>>
      tpu.wait_indirect_dma semaphore(%run_scoped3A_111 : memref<!tpu.dma_semaphore, #tpu.memory_space<semaphore_mem>>) src(%dma_wait3A_122 : memref<80x128xf32, #tpu.memory_space<vmem>>) dst(%dma_wait3A_125 : memref<10240x128xf32, #tpu.memory_space<vmem_shared>>)
      tpu.yield
    }) : () -> ()
    %dma_wait3A_106 = tpu.memref_slice %arg3[%add3A_32] : memref<320000xi32, #tpu.memory_space<hbm>> -> memref<80xi32, #tpu.memory_space<hbm>>
    %dma_wait3A_107 = tpu.memref_slice %arg3[%add3A_32] : memref<320000xi32, #tpu.memory_space<hbm>> -> memref<80xi32, #tpu.memory_space<hbm>>
    tpu.wait_dma2 semaphore(%arg19 : memref<!tpu.dma_semaphore, #tpu.memory_space<semaphore_mem>>) src(%dma_wait3A_107 : memref<80xi32, #tpu.memory_space<hbm>>) dst(%arg8 : memref<80xi32, #tpu.memory_space<vmem>>)
    %dma_wait3A_108 = tpu.memref_slice %arg4[%add3A_32] : memref<320000xi32, #tpu.memory_space<hbm>> -> memref<80xi32, #tpu.memory_space<hbm>>
    %dma_wait3A_109 = tpu.memref_slice %arg4[%add3A_32] : memref<320000xi32, #tpu.memory_space<hbm>> -> memref<80xi32, #tpu.memory_space<hbm>>
    tpu.wait_dma2 semaphore(%arg19 : memref<!tpu.dma_semaphore, #tpu.memory_space<semaphore_mem>>) src(%dma_wait3A_109 : memref<80xi32, #tpu.memory_space<hbm>>) dst(%arg10 : memref<80xi32, #tpu.memory_space<vmem>>)
    %barrier3A_110 = arith.constant 0 : index
    tpu.barrier barrier_id(%barrier3A_110)
    "tpu.region"() ({
      %run_scoped3A_111 = tpu.sem_alloc : memref<!tpu.dma_semaphore, #tpu.memory_space<semaphore_mem>>
      %dma_start3A_112 = arith.constant 0 : i32
      %dma_start3A_113 = tpu.memref_slice %arg6[%arg0, %mul3A_0, %dma_start3A_112] : memref<2x10240x128xf32, #tpu.memory_space<hbm>> -> memref<1x640x128xf32, #tpu.memory_space<hbm>>
      %dma_start3A_114 = tpu.memref_squeeze %dma_start3A_113 : memref<1x640x128xf32, #tpu.memory_space<hbm>> -> memref<640x128xf32, #tpu.memory_space<hbm>>
      %dma_start3A_115 = arith.constant 0 : i32
      %dma_start3A_116 = tpu.memref_slice %arg13[%mul3A_0, %dma_start3A_115] : memref<10240x128xf32, #tpu.memory_space<vmem_shared>> -> memref<640x128xf32, #tpu.memory_space<vmem_shared>>
      tpu.enqueue_dma source(%dma_start3A_116 : memref<640x128xf32, #tpu.memory_space<vmem_shared>>) target(%dma_start3A_114 : memref<640x128xf32, #tpu.memory_space<hbm>>) target_semaphore(%run_scoped3A_111 : memref<!tpu.dma_semaphore, #tpu.memory_space<semaphore_mem>>)
      %dma_wait3A_117 = arith.constant 0 : i32
      %dma_wait3A_118 = tpu.memref_slice %arg6[%arg0, %mul3A_0, %dma_wait3A_117] : memref<2x10240x128xf32, #tpu.memory_space<hbm>> -> memref<1x640x128xf32, #tpu.memory_space<hbm>>
      %dma_wait3A_119 = tpu.memref_squeeze %dma_wait3A_118 : memref<1x640x128xf32, #tpu.memory_space<hbm>> -> memref<640x128xf32, #tpu.memory_space<hbm>>
      %dma_wait3A_120 = arith.constant 0 : i32
      %dma_wait3A_121 = tpu.memref_slice %arg13[%mul3A_0, %dma_wait3A_120] : memref<10240x128xf32, #tpu.memory_space<vmem_shared>> -> memref<640x128xf32, #tpu.memory_space<vmem_shared>>
      tpu.wait_dma2 semaphore(%run_scoped3A_111 : memref<!tpu.dma_semaphore, #tpu.memory_space<semaphore_mem>>) src(%dma_wait3A_121 : memref<640x128xf32, #tpu.memory_space<vmem_shared>>) dst(%dma_wait3A_119 : memref<640x128xf32, #tpu.memory_space<hbm>>)
      tpu.yield
    }) : () -> ()
    return
  }
}

module attributes {stable_mosaic.version = 14 : i64} {
  func.func @_proj_body(%arg0: i32, %arg1: memref<16x12800xf32, #tpu.memory_space<vmem>>, %arg2: memref<16x128xf32, #tpu.memory_space<vmem>>, %arg3: memref<1x128xf32, #tpu.memory_space<vmem>>, %arg4: memref<12800x128xf32, #tpu.memory_space<vmem>>) attributes {dimension_semantics = [#tpu.dimension_semantics<arbitrary>], iteration_bounds = array<i64: 25>, scalar_prefetch = 0 : i64, scratch_operands = 0 : i64, tpu.core_type = #tpu.core_type<tc>, window_params = [{transform_indices = @transform_0, window_bounds = array<i64: 16, 12800>}, {pipeline_mode = #tpu.pipeline_mode<synchronous>, transform_indices = @transform_1, window_bounds = array<i64: 16, 128>}, {pipeline_mode = #tpu.pipeline_mode<synchronous>, transform_indices = @transform_2, window_bounds = array<i64: 1, 128>}, {transform_indices = @transform_3, window_bounds = array<i64: 12800, 128>}]} {
    %get3A = arith.constant 0 : index
    %get3A_0 = arith.constant 0 : index
    %get3A_1 = vector.load %arg1[%get3A, %get3A_0] : memref<16x12800xf32, #tpu.memory_space<vmem>>, vector<16x12800xf32>
    %get3A_2 = arith.constant 0 : index
    %get3A_3 = arith.constant 0 : index
    %get3A_4 = vector.load %arg2[%get3A_2, %get3A_3] : memref<16x128xf32, #tpu.memory_space<vmem>>, vector<16x128xf32>
    %dot_general3A = arith.constant dense<0.000000e+00> : vector<12800x128xf32>
    %dot_general3A_5 = tpu.matmul %get3A_1, %get3A_4, %dot_general3A {dimension_numbers = #tpu.dot_dimension_numbers<[0], [0], [1], [1], [0, 1, 1, 1], [], []>, transpose_lhs_hint = false} : vector<16x12800xf32>, vector<16x128xf32>, vector<12800x128xf32> -> vector<12800x128xf32>
    %get3A_6 = arith.constant 0 : index
    %get3A_7 = arith.constant 0 : index
    %get3A_8 = vector.load %arg3[%get3A_6, %get3A_7] : memref<1x128xf32, #tpu.memory_space<vmem>>, vector<1x128xf32>
    %add3A = vector.broadcast %get3A_8 : vector<1x128xf32> to vector<12800x128xf32>
    %add3A_9 = arith.addf %dot_general3A_5, %add3A : vector<12800x128xf32>
    %swap3A = arith.constant 0 : index
    %swap3A_10 = arith.constant 0 : index
    %swap3A_11 = vector.load %arg4[%swap3A, %swap3A_10] : memref<12800x128xf32, #tpu.memory_space<vmem>>, vector<12800x128xf32>
    tpu.vector_store %arg4[%swap3A, %swap3A_10], %add3A_9 {strides = array<i32>} : memref<12800x128xf32, #tpu.memory_space<vmem>>, vector<12800x128xf32>,
    return
  }
  func.func @transform_0(%arg0: i32) -> (i32, i32) {
    %c0_i32 = arith.constant 0 : i32
    %c0_i32_0 = arith.constant 0 : i32
    return %c0_i32, %arg0 : i32, i32
  }
  func.func @transform_1(%arg0: i32) -> (i32, i32) {
    %c0_i32 = arith.constant 0 : i32
    %c0_i32_0 = arith.constant 0 : i32
    %c0_i32_1 = arith.constant 0 : i32
    return %c0_i32, %c0_i32_0 : i32, i32
  }
  func.func @transform_2(%arg0: i32) -> (i32, i32) {
    %c0_i32 = arith.constant 0 : i32
    %c0_i32_0 = arith.constant 0 : i32
    %c0_i32_1 = arith.constant 0 : i32
    return %c0_i32, %c0_i32_0 : i32, i32
  }
  func.func @transform_3(%arg0: i32) -> (i32, i32) {
    %c0_i32 = arith.constant 0 : i32
    %c0_i32_0 = arith.constant 0 : i32
    return %arg0, %c0_i32 : i32, i32
  }
}

module attributes {stable_mosaic.version = 14 : i64} {
  func.func @_mlp_body(%arg0: i32, %arg1: memref<2000x128xf32, #tpu.memory_space<vmem>>, %arg2: memref<2x2000x128xf32, #tpu.memory_space<vmem>>, %arg3: memref<128x128xf32, #tpu.memory_space<vmem>>, %arg4: memref<1x128xf32, #tpu.memory_space<vmem>>, %arg5: memref<128x128xf32, #tpu.memory_space<vmem>>, %arg6: memref<1x128xf32, #tpu.memory_space<vmem>>, %arg7: memref<2000x128xf32, #tpu.memory_space<vmem>>) attributes {dimension_semantics = [#tpu.dimension_semantics<arbitrary>], iteration_bounds = array<i64: 5>, scalar_prefetch = 0 : i64, scratch_operands = 0 : i64, tpu.core_type = #tpu.core_type<tc>, window_params = [{transform_indices = @transform_0, window_bounds = array<i64: 2000, 128>}, {transform_indices = @transform_1, window_bounds = array<i64: 2, 2000, 128>}, {pipeline_mode = #tpu.pipeline_mode<synchronous>, transform_indices = @transform_2, window_bounds = array<i64: 128, 128>}, {pipeline_mode = #tpu.pipeline_mode<synchronous>, transform_indices = @transform_3, window_bounds = array<i64: 1, 128>}, {pipeline_mode = #tpu.pipeline_mode<synchronous>, transform_indices = @transform_4, window_bounds = array<i64: 128, 128>}, {pipeline_mode = #tpu.pipeline_mode<synchronous>, transform_indices = @transform_5, window_bounds = array<i64: 1, 128>}, {transform_indices = @transform_6, window_bounds = array<i64: 2000, 128>}]} {
    %get3A = arith.constant 0 : index
    %get3A_0 = arith.constant 0 : index
    %get3A_1 = vector.load %arg1[%get3A, %get3A_0] : memref<2000x128xf32, #tpu.memory_space<vmem>>, vector<2000x128xf32>
    %get3A_2 = arith.constant 0 : index
    %get3A_3 = arith.constant 0 : index
    %get3A_4 = arith.constant 0 : index
    %get3A_5 = vector.load %arg2[%get3A_2, %get3A_3, %get3A_4] : memref<2x2000x128xf32, #tpu.memory_space<vmem>>, vector<1x2000x128xf32>
    %get3A_6 = vector.shape_cast %get3A_5 : vector<1x2000x128xf32> to vector<2000x128xf32>
    %add3A = arith.addf %get3A_1, %get3A_6 : vector<2000x128xf32>
    %get3A_7 = arith.constant 1 : index
    %get3A_8 = arith.constant 0 : index
    %get3A_9 = arith.constant 0 : index
    %get3A_10 = vector.load %arg2[%get3A_7, %get3A_8, %get3A_9] : memref<2x2000x128xf32, #tpu.memory_space<vmem>>, vector<1x2000x128xf32>
    %get3A_11 = vector.shape_cast %get3A_10 : vector<1x2000x128xf32> to vector<2000x128xf32>
    %add3A_12 = arith.addf %add3A, %get3A_11 : vector<2000x128xf32>
    %get3A_13 = arith.constant 0 : index
    %get3A_14 = arith.constant 0 : index
    %get3A_15 = vector.load %arg3[%get3A_13, %get3A_14] : memref<128x128xf32, #tpu.memory_space<vmem>>, vector<128x128xf32>
    %dot_general3A = arith.constant dense<0.000000e+00> : vector<2000x128xf32>
    %dot_general3A_16 = tpu.matmul %add3A_12, %get3A_15, %dot_general3A {dimension_numbers = #tpu.dot_dimension_numbers<[1], [0], [0], [1], [0, 0, 1, 1], [], []>, transpose_lhs_hint = false} : vector<2000x128xf32>, vector<128x128xf32>, vector<2000x128xf32> -> vector<2000x128xf32>
    %get3A_17 = arith.constant 0 : index
    %get3A_18 = arith.constant 0 : index
    %get3A_19 = vector.load %arg4[%get3A_17, %get3A_18] : memref<1x128xf32, #tpu.memory_space<vmem>>, vector<1x128xf32>
    %add3A_20 = vector.broadcast %get3A_19 : vector<1x128xf32> to vector<2000x128xf32>
    %add3A_21 = arith.addf %dot_general3A_16, %add3A_20 : vector<2000x128xf32>
    %max3A = arith.constant 0.000000e+00 : f32
    %max3A_22 = vector.broadcast %max3A : f32 to vector<2000x128xf32>
    %max3A_23 = arith.maximumf %add3A_21, %max3A_22 : vector<2000x128xf32>
    %get3A_24 = arith.constant 0 : index
    %get3A_25 = arith.constant 0 : index
    %get3A_26 = vector.load %arg5[%get3A_24, %get3A_25] : memref<128x128xf32, #tpu.memory_space<vmem>>, vector<128x128xf32>
    %dot_general3A_27 = arith.constant dense<0.000000e+00> : vector<2000x128xf32>
    %dot_general3A_28 = tpu.matmul %max3A_23, %get3A_26, %dot_general3A_27 {dimension_numbers = #tpu.dot_dimension_numbers<[1], [0], [0], [1], [0, 0, 1, 1], [], []>, transpose_lhs_hint = false} : vector<2000x128xf32>, vector<128x128xf32>, vector<2000x128xf32> -> vector<2000x128xf32>
    %get3A_29 = arith.constant 0 : index
    %get3A_30 = arith.constant 0 : index
    %get3A_31 = vector.load %arg6[%get3A_29, %get3A_30] : memref<1x128xf32, #tpu.memory_space<vmem>>, vector<1x128xf32>
    %add3A_32 = vector.broadcast %get3A_31 : vector<1x128xf32> to vector<2000x128xf32>
    %add3A_33 = arith.addf %dot_general3A_28, %add3A_32 : vector<2000x128xf32>
    %swap3A = arith.constant 0 : index
    %swap3A_34 = arith.constant 0 : index
    %swap3A_35 = vector.load %arg7[%swap3A, %swap3A_34] : memref<2000x128xf32, #tpu.memory_space<vmem>>, vector<2000x128xf32>
    tpu.vector_store %arg7[%swap3A, %swap3A_34], %add3A_33 {strides = array<i32>} : memref<2000x128xf32, #tpu.memory_space<vmem>>, vector<2000x128xf32>,
    return
  }
  func.func @transform_0(%arg0: i32) -> (i32, i32) {
    %c0_i32 = arith.constant 0 : i32
    %c0_i32_0 = arith.constant 0 : i32
    return %arg0, %c0_i32 : i32, i32
  }
  func.func @transform_1(%arg0: i32) -> (i32, i32, i32) {
    %c0_i32 = arith.constant 0 : i32
    %c0_i32_0 = arith.constant 0 : i32
    %c0_i32_1 = arith.constant 0 : i32
    return %c0_i32, %arg0, %c0_i32_0 : i32, i32, i32
  }
  func.func @transform_2(%arg0: i32) -> (i32, i32) {
    %c0_i32 = arith.constant 0 : i32
    %c0_i32_0 = arith.constant 0 : i32
    %c0_i32_1 = arith.constant 0 : i32
    return %c0_i32, %c0_i32_0 : i32, i32
  }
  func.func @transform_3(%arg0: i32) -> (i32, i32) {
    %c0_i32 = arith.constant 0 : i32
    %c0_i32_0 = arith.constant 0 : i32
    %c0_i32_1 = arith.constant 0 : i32
    return %c0_i32, %c0_i32_0 : i32, i32
  }
  func.func @transform_4(%arg0: i32) -> (i32, i32) {
    %c0_i32 = arith.constant 0 : i32
    %c0_i32_0 = arith.constant 0 : i32
    %c0_i32_1 = arith.constant 0 : i32
    return %c0_i32, %c0_i32_0 : i32, i32
  }
  func.func @transform_5(%arg0: i32) -> (i32, i32) {
    %c0_i32 = arith.constant 0 : i32
    %c0_i32_0 = arith.constant 0 : i32
    %c0_i32_1 = arith.constant 0 : i32
    return %c0_i32, %c0_i32_0 : i32, i32
  }
  func.func @transform_6(%arg0: i32) -> (i32, i32) {
    %c0_i32 = arith.constant 0 : i32
    %c0_i32_0 = arith.constant 0 : i32
    return %arg0, %c0_i32 : i32, i32
  }
}

</mosaic_0001>

<sc_bundles>
// kernel: kernel.5.cloned.1.call-start
scs
__scs_entry_jumppad:
0x0: {  	(pc) =	sbr.rel $0x88, $3  }
0x1: {  	(tag) =	ssettag $0x0;
	lr =	simm.s32 $0x1  }
0x2: {  	[smem:$0x3F98] =	sst lr;
	_ =	strace $0xD0000000  }
0x3: {  	_ = 	snop  }
0x4: {  	_ = 	snop  }
0x5: {  	_ = 	snop  }
0x6: {  	_ = 	snop  }
0x7: {  	_ = 	snop  }
__scs_overlays_trampoline_lowered:
0x8: {  	[smem:$0x3FA7] =	sst s0  }
0x9: {  	[smem:$0x3FA8] =	sst s1  }
0xa: {  	[smem:$0x3FA9] =	sst s2  }
0xb: {  	[smem:$0x3FAA] =	sst s3  }
0xc: {  	[smem:$0x3FAB] =	sst s4  }
0xd: {  	[smem:$0x3FAC] =	sst s5  }
0xe: {  	[smem:$0x3FAD] =	sst s6  }
0xf: {  	[smem:$0x3FAE] =	sst s7  }
0x10: {  	[smem:$0x3FAF] =	sst s8  }
0x11: {  	[smem:$0x3FB0] =	sst s9;
	s0 =	simm.s32 @!p0 $0x0  }
0x12: {  	s1 =	sld [smem:$0x3F96];
	s0 =	simm.s32 @p0 $0x1  }
0x13: {  	[smem:$0x3FB1] =	sst s0;
	s0 =	simm.s32 @!p1 $0x0  }
0x14: {  	s2 =	sld [smem:$0x3F95];
	s0 =	simm.s32 @p1 $0x1  }
0x15: {  	[smem:$0x3FB2] =	sst s0;
	s0 =	simm.s32 @!p2 $0x0  }
0x16: {  	s3 =	sld [smem:$0x3FDB];
	s0 =	simm.s32 @p2 $0x1  }
0x17: {  	s4 =	simm.s32 $0x1BF5;
	[smem:$0x3FB4] =	sst s0  }
0x18: {  	s0 =	sld [smem:$0x3F97];
	_ =	swait.ge [sflag:s4], $0x0  }
0x19: {  	s7 =	sld [smem:$0x3F98]  }
0x1a: {  	s8 =	sadd.s32 $0xFFFFE003, lr  }
0x1b: {  	s9 =	sadd.s32 $0xFFFFFEF7, lr;
	s5 =	simm.s32 $0xFFFFFFFF;
	p2 =	slt.u32 s8, $0xFFFFF086  }
0x1c: {  	p1 =	slt.u32 s9, $0xF7A;
	s5 =	simm.s32 @!p2 $0x0  }
0x1d: {  	s5 =	simm.s32 @p1 $0x1;
	p0 =	seq.s32 s7, s2  }
0x1e: {  	s7 =	smul.u32 @!p0 $0xF7A, s2;
	p2 =	seq.s32 @!p0 s5, $0x0  }
0x1f: {  	s9 =	smul.u32 $0xF7A, s1;
	s8 =	simm.s32 @!p0 $0x1BF5;
	p2 =	por !p2, p0  }
0x20: {  	[sflag:s8] =	ssyncset.s32 @!p0 $0xFFFFF086;
	s6 =	sadd.s32 @!p0 s3, s7;
	s7 =	simm.s32 @!p0 $0x108  }
0x21: {  	s3 =	sadd.s32 s3, s9;
	s6 =	sadd.s32 @!p0 $0x88, s6;
	s7 =	simm.s32 @p2 $0x1082  }
0x22: {  	[simem:s7], [sflag:s8] =	dma.local @!p0 [hbm:s6], $0xF7A  }
0x23: {  	s9 =	sor.u32 $0xD0000000, s2;
	s6 =	simm.s32 $0x108;
	_ =	swait.ge @!p0 [sflag:s8], $0x0  }
0x24: {  	s3 =	sadd.s32 $0x88, s3;
	s6 =	simm.s32 @!p1 $0x1082;
	[sflag:s4] =	ssyncset.s32 $0xFFFFF086  }
0x25: {  	[simem:s6], [sflag:s4] =	dma.local [hbm:s3], $0xF7A  }
0x26: {  	[smem:$0x3F98] =	sst s1;
	(tag) =	ssettag s2;
	_ =	strace s9  }
0x27: {  	s1 =	sld [smem:$0x3FA8]  }
0x28: {  	s2 =	sld [smem:$0x3FA9]  }
0x29: {  	s4 =	sld [smem:$0x3FAB]  }
0x2a: {  	p0 =	seq.s32 s5, $0x0;
	s5 =	sld [smem:$0x3FAC]  }
0x2b: {  	s6 =	sld [smem:$0x3FAD]  }
0x2c: {  	s7 =	sld [smem:$0x3FAE]  }
0x2d: {  	s3 =	simm.s32 $0x108;
	s8 =	sld [smem:$0x3FAF]  }
0x2e: {  	s3 =	simm.s32 @!p0 $0x1082;
	s9 =	sld [smem:$0x3FB0]  }
0x2f: {  	lr =	sadd.s32 s0, s3;
	s0 =	sld [smem:$0x3FA7]  }
0x30: {  	s3 =	sld [smem:$0x3FAA]  }
0x31: {  	[smem:$0x3FB3] =	sst s10  }
0x32: {  	s10 =	sld [smem:$0x3FB1];
	_ =	sdelay $0x3  }
0x33: {  	p0 =	seq.s32 s10, $0x1;
	s10 =	sld [smem:$0x3FB3];
	_ =	sdelay $0x3  }
0x34: {  	[smem:$0x3FB3] =	sst s10  }
0x35: {  	s10 =	sld [smem:$0x3FB2];
	_ =	sdelay $0x3  }
0x36: {  	p1 =	seq.s32 s10, $0x1;
	s10 =	sld [smem:$0x3FB3];
	_ =	sdelay $0x3  }
0x37: {  	[smem:$0x3FB3] =	sst s10  }
0x38: {  	s10 =	sld [smem:$0x3FB4]  }
0x39: {  	_ = 	snop;
	(pc) =	sbr.ind lr, $3  }
0x3a: {  	_ = 	snop  }
0x3b: {  	_ = 	snop  }
0x3c: {  	p2 =	seq.s32 s10, $0x1;
	s10 =	sld [smem:$0x3FB3]  }
0x3d: {  	_ =	shalt  }
0x3e: {  	_ =	shalt  }
0x3f: {  	_ =	shalt  }
0x40: {  	_ =	shalt  }
0x41: {  	_ =	shalt  }
0x42: {  	_ =	shalt  }
0x43: {  	_ =	shalt  }
0x44: {  	_ =	shalt  }
0x45: {  	_ =	shalt  }
0x46: {  	_ =	shalt  }
0x47: {  	_ =	shalt  }
0x48: {  	_ =	shalt  }
0x49: {  	_ =	shalt  }
0x4a: {  	_ =	shalt  }
0x4b: {  	_ =	shalt  }
0x4c: {  	_ =	shalt  }
0x4d: {  	_ =	shalt  }
0x4e: {  	_ =	shalt  }
0x4f: {  	_ =	shalt  }
0x50: {  	_ =	shalt  }
0x51: {  	_ =	shalt  }
0x52: {  	_ =	shalt  }
0x53: {  	_ =	shalt  }
0x54: {  	_ =	shalt  }
0x55: {  	_ =	shalt  }
0x56: {  	_ =	shalt  }
0x57: {  	_ =	shalt  }
0x58: {  	_ =	shalt  }
0x59: {  	_ =	shalt  }
0x5a: {  	_ =	shalt  }
0x5b: {  	_ =	shalt  }
0x5c: {  	_ =	shalt  }
0x5d: {  	_ =	shalt  }
0x5e: {  	_ =	shalt  }
0x5f: {  	_ =	shalt  }
0x60: {  	_ =	shalt  }
0x61: {  	_ =	shalt  }
0x62: {  	_ =	shalt  }
0x63: {  	_ =	shalt  }
0x64: {  	_ =	shalt  }
0x65: {  	_ =	shalt  }
0x66: {  	_ =	shalt  }
0x67: {  	_ =	shalt  }
0x68: {  	_ =	shalt  }
0x69: {  	_ =	shalt  }
0x6a: {  	_ =	shalt  }
0x6b: {  	_ =	shalt  }
0x6c: {  	_ =	shalt  }
0x6d: {  	_ =	shalt  }
0x6e: {  	_ =	shalt  }
0x6f: {  	_ =	shalt  }
0x70: {  	_ =	shalt  }
0x71: {  	_ =	shalt  }
0x72: {  	_ =	shalt  }
0x73: {  	_ =	shalt  }
0x74: {  	_ =	shalt  }
0x75: {  	_ =	shalt  }
0x76: {  	_ =	shalt  }
0x77: {  	_ =	shalt  }
0x78: {  	_ =	shalt  }
0x79: {  	_ =	shalt  }
0x7a: {  	_ =	shalt  }
0x7b: {  	_ =	shalt  }
0x7c: {  	_ =	shalt  }
0x7d: {  	_ =	shalt  }
0x7e: {  	_ =	shalt  }
0x7f: {  	_ =	shalt  }
0x80: {  	_ =	shalt  }
0x81: {  	_ =	shalt  }
0x82: {  	_ =	shalt  }
0x83: {  	_ =	shalt  }
0x84: {  	_ =	shalt  }
0x85: {  	_ =	shalt  }
0x86: {  	_ =	shalt  }
0x87: {  	_ =	shalt  }
.Lfunc_end0:
.L_simem_size_0:
called_computation_lowered:
.L_overlay_start_0:
0x88: {  	s2 =	sld [smem:$0x3FD9]  }
0x89: {  	s3 =	sld [smem:$0x3FFE];
	_ =	sdelay $0x1  }
0x8a: {  	s1 =	srdreg.scid  }
0x8b: {  	s0 =	sand.u32 $0x1, s1  }
0x8c: {  	s17 =	sshll.u32 s0, $0xA;
	s2 =	sadd.s32 s3, s2  }
0x8d: {  	s2 =	sadd.s32 s2, s17  }
0x8e: {  	[smem:$0x3FBF] =	sst s2  }
0x8f: {  	_ = 	snop  }
0x90: {  	s2 =	sld [smem:$0x3FC9]  }
0x91: {  	s18 =	sld [smem:$0x3FD0];
	(tm) =	ssettm $0x1  }
0x92: {  	s4 =	sld [smem:$0x3FFB];
	_ =	sdelay $0x3  }
0x93: {  	_ =	strace s4  }
0x94: {  	s4 =	sld [smem:$0x3FFC];
	_ =	sdelay $0x3  }
0x95: {  	_ =	strace s4  }
0x96: {  	s4 =	sld [smem:$0x3FFD];
	_ =	sdelay $0x3  }
0x97: {  	_ =	strace s4  }
0x98: {  	_ =	strace $0x8FFFFFFF  }
0x99: {  	s19 =	sld [smem:$0x3FDB];
	_ =	sdelay $0x1  }
0x9a: {  	s5 =	simm.s32 $_scs_section_size  }
0x9b: {  	s6 =	simm.s32 $_size__tile_overlayer_lowered;
	s7 =	simm.s32 $_tile_overlayer_lowered  }
0x9c: {  	s22 =	simm.s32 $0x1BFF;
	s21 =	sshll.u32 s7, $0x1;
	s4 =	sadd.s32 s5, s19  }
0x9d: {  	s8 =	simm.s32 $0x0;
	s20 =	sshll.u32 s6, $0x1;
	s6 =	sadd.s32 s21, s4  }
0x9e: {  	[timem:s8], [sflag:s22] =	dma.local [hbm:s6], s20  }
0x9f: {  	_ =	swait.ge [sflag:s22], s20  }
0xa0: {  	s5 =	ssub.s32 $0x0, s20;
	[sflag:s22] =	ssyncset.done $0x0  }
0xa1: {  	[sflag:s22] =	ssyncadd.s32 s5;
	_ =	sdelay $0x1  }
0xa2: {  	s23 =	simm.s32 $0x1B8B  }
0xa3: {  	_ =	swait.ge [sflag:s23], $0x1  }
0xa4: {  	[sflag:s23] =	ssyncset.done $0x0  }
0xa5: {  	s25 =	simm.s32 $0x1B8E;
	s24 =	sld [smem:$0x3FFE];
	[sflag:s23] =	ssyncadd.s32 $0xFFFFFFFF  }
0xa6: {  	s26 =	simm.s32 $execute0_lowered;
	[smem:$0x3FD2] =	sst s25  }
0xa7: {  	s6 =	sshll.u32 s26, $0x1;
	_ =	strace $0x80000046;
	[dreg:$0x1] =	wrdreg $0xFFFFFFFF  }
0xa8: {  	s28 =	simm.s32 $_size_execute0_lowered;
	s4 =	sadd.s32 s4, s6;
	[dreg:$0x0] =	wrdreg $0x0  }
0xa9: {  	s6 =	sshll.u32 s28, $0x1;
	[dreg:$0x2] =	wrdreg s4  }
0xaa: {  	[dreg:$0x3] =	wrdreg s6  }
0xab: {  	[dreg:$0x4] =	wrdreg $0xC0  }
0xac: {  	_ =	task [dreg:s8], $0x5FFFF  }
0xad: {  	[dreg:$0x1] =	wrdreg $0xFFFFFFFF  }
0xae: {  	[dreg:$0x0] =	wrdreg $0x60  }
0xaf: {  	[dreg:$0x2] =	wrdreg s2  }
0xb0: {  	[dreg:$0x3] =	wrdreg s24  }
0xb1: {  	[dreg:$0x4] =	wrdreg s18  }
0xb2: {  	[dreg:$0x5] =	wrdreg $0xA2000  }
0xb3: {  	[dreg:$0x6] =	wrdreg $0x9  }
0xb4: {  	_ =	task.clear_ibuf [dreg:s8], $0x7FFFF;
	_ =	strace $0x90000046  }
0xb5: {  	s29 =	simm.s32 $0x9;
	_ =	strace $0x80000048  }
0xb6: {  	_ =	swait.ge [sflag:s29], $0x1  }
0xb7: {  	[sflag:s29] =	ssyncadd.s32 $0xFFFFFFFF  }
0xb8: {  	_ =	strace $0x90000048  }
0xb9: {  	_ =	sfence  }
0xba: {  	s30 =	sld [smem:$0x0];
	_ =	sdelay $0x2  }
0xbb: {  	s31 =	sshll.u32 s1, $0xD;
	s1 =	sshrl.u32 s1, $0x2  }
0xbc: {  	s3 =	sand.u32 $0x4000, s31;
	s1 =	sadd.s32 s1, s30  }
0xbd: {  	s0 =	sor.u32 s3, s0;
	s1 =	sshll.u32 s1, $0x11  }
0xbe: {  	s0 =	sor.u32 s1, s0  }
0xbf: {  	s0 =	sadd.s32 $0x8F2B, s0  }
0xc0: {  	[sflag:s0] =	ssyncadd.remote.s32 $0x1  }
0xc1: {  	_ =	sfence.sel $0xFFFF  }
0xc2: {  	[dreg:$0x0] =	wrdreg $0xFFFFFFFF;
	(pc) =	sbr.abs _section_cstart, $3  }
0xc3: {  	[dreg:$0x1] =	wrdreg $0xFFFFFFFF  }
0xc4: {  	_ =	task.clear_ibuf [dreg:s8], $0x2FFFF;
	_ =	strace $0x9FFFFFFF  }
0xc5: {  	(tm) =	ssettm $0x7FFFFFFF  }
tec
execute0_lowered:
.L_overlay_start_1:
0x0: {  	(tag) =	ssettag $0x1  }
0x1: {  	s0 =	rddreg [dreg:$0x0]  }
0x2: {  	s1 =	rddreg [dreg:$0x1]  }
0x3: {  	s3 =	rddreg [dreg:$0x2]  }
0x4: {  	s2 =	srdreg.scid;
	s4 =	rddreg [dreg:$0x3]  }
0x5: {  	s11 =	stileid.u32;
	s5 =	simm.s32 $0x0;
	s28 =	simm.s32 $0x7  }
0x6: {  	s29 =	simm.s32 $0x100;
	s30 =	simm.s32 $0x5;
	s7 =	smul.u32 $0x14000, s11  }
0x7: {  	s31 =	simm.s32 $0x50;
	s2 =	sand.u32 $0x1, s2;
	s9 =	smul.u32 $0x50000, s11  }
0x8: {  	[smem:$0x7FF] =	sst s5;
	s12 =	smul.u32 $0x2710, s11;
	s11 =	simm.s32 $0x2A00  }
0x9: {  	s6 =	smul.u32 $0x140000, s2;
	_ =	strace $0x80000047;
	s10 =	ssub.s32 $0x2, s2  }
0xa: {  	s2 =	smul.u32 $0x27100, s2;
	s25 =	sshrl.u32 s9, $0x2;
	s26 =	sshrl.u32 s10, $0x1  }
0xb: {  	s8 =	sadd.s32 s7, s6;
	s6 =	sadd.s32 $0xE00, s1;
	s7 =	sadd.s32 $0xAC00, s1  }
0xc: {  	s21 =	sadd.s32 s25, s4;
	s9 =	ssub.s32 s10, s26;
	s2 =	sadd.s32 s12, s2  }
0xd: {  	s8 =	sshrl.u32 s8, $0x3;
	s13 =	sadd.s32 $0x5000, s21;
	[dreg:$0x5] =	wrdreg s21  }
0xe: {  	s14 =	sadd.s32 $0x7800, s21;
	s15 =	sadd.s32 $0xA000, s21;
	[dreg:$0x7] =	wrdreg s13  }
0xf: {  	s16 =	sadd.s32 $0xC800, s21;
	s17 =	sadd.s32 $0xF000, s21;
	[dreg:$0x8] =	wrdreg s14  }
0x10: {  	s18 =	sadd.s32 $0x11800, s21;
	s10 =	sshrl.u32 s2, $0x3;
	[dreg:$0x9] =	wrdreg s15  }
0x11: {  	s20 =	sshll.u32 s2, $0x4;
	s26 =	smax.u32 s9, $0x1;
	[dreg:$0xa] =	wrdreg s16  }
0x12: {  	s9 =	simm.s32 $0x180;
	s1 =	sadd.s32 s8, s1;
	[dreg:$0xb] =	wrdreg s17  }
0x13: {  	s8 =	sadd.s32 $0x2800, s21;
	[dreg:$0xc] =	wrdreg s18;
	s16 =	sadd.s32 $0x50, s2  }
0x14: {  	s19 =	sadd.s32 s6, s10;
	s22 =	sadd.s32 s3, s10;
	s23 =	sadd.s32 s7, s20  }
0x15: {  	[dreg:$0x13] =	wrdreg s26;
	s26 =	simm.s32 $0x200;
	s10 =	simm.s32 $0x6  }
0x16: {  	s13 =	simm.s32 $0x1;
	s14 =	simm.s32 $0x3;
	[dreg:$0x6] =	wrdreg s8  }
0x17: {  	s15 =	simm.s32 $0x2;
	s17 =	simm.s32 $0x4;
	[dreg:$0xd] =	wrdreg s19  }
0x18: {  	s18 =	simm.s32 $0x0;
	s12 =	sshrl.u32 s16, $0x3;
	[dreg:$0xe] =	wrdreg s22  }
0x19: {  	[dreg:$0xf] =	wrdreg s23;
	s22 =	sadd.s32 $0xA0, s2;
	s1 =	sadd.s32 $0x4ECC00, s1  }
0x1a: {  	s23 =	sadd.s32 $0xF0, s2;
	s24 =	sadd.s32 s6, s12;
	[dreg:$0x12] =	wrdreg s1  }
0x1b: {  	s2 =	simm.s32 $0x80;
	s25 =	sadd.s32 s3, s12;
	[dreg:$0x10] =	wrdreg s24  }
0x1c: {  	v0 =	vimm.f32 $0.0e+00;
	s1 =	simm.s32 $0x5200;
	s12 =	simm.s32 $0x7A00;
	[dreg:$0x11] =	wrdreg s25  }
.LBB2_1:
0x1d: {  	s19 =	simm.s32 $0x0;
	s20 =	simm.s32 $0x200  }
.LBB2_2:
0x1e: {  	p0 =	sne.s32 s20, $0x9E00;
	[tilespmem:s19+$0x270] =	vst v0  }
0x1f: {  	[tilespmem:s19+$0x200] =	vst v0  }
0x20: {  	[tilespmem:s19+$0x210] =	vst v0  }
.Ltmp0:
0x21: {  	[tilespmem:s19+$0x220] =	vst v0;
	(pc) =	sbr.rel @p0 .LBB2_2-.Ltmp0, $4  }
0x22: {  	[tilespmem:s19+$0x230] =	vst v0  }
0x23: {  	[tilespmem:s19+$0x240] =	vst v0  }
0x24: {  	[tilespmem:s19+$0x250] =	vst v0  }
0x25: {  	[tilespmem:s19+$0x260] =	vst v0;
	s19 =	sshra.s32 s20, $0x2;
	s20 =	sadd.s32 $0x200, s20  }
0x26: {  	[tilespmem:s19+$0x270] =	vst v0  }
0x27: {  	[tilespmem:s19+$0x200] =	vst v0  }
0x28: {  	[tilespmem:s19+$0x210] =	vst v0  }
0x29: {  	[tilespmem:s19+$0x220] =	vst v0  }
0x2a: {  	[tilespmem:s19+$0x230] =	vst v0  }
0x2b: {  	[tilespmem:s19+$0x240] =	vst v0  }
0x2c: {  	[tilespmem:s19+$0x250] =	vst v0  }
0x2d: {  	[tilespmem:s19+$0x260] =	vst v0  }
0x2e: {  	[spmem:s21] =	stream.linear.scatter [tilespmem:s26], [sflag:$0x7], $0x2800, $0x38;
	[tilespmem:$0x1E200] =	vst v63  }
0x2f: {  	_ =	swait.ge [sflag:s28], $0x2800  }
0x30: {  	[sflag:s28] =	ssyncset.done $0x0  }
0x31: {  	s8 =	rddreg [dreg:$0x6];
	[sflag:s28] =	ssyncadd.s32 $0xFFFFD800  }
0x32: {  	[spmem:s8] =	stream.linear.scatter [tilespmem:s26], [sflag:$0x7], $0x2800, $0x38;
	[tilespmem:$0x1E200] =	vst v63  }
0x33: {  	_ =	swait.ge [sflag:s28], $0x2800  }
0x34: {  	[sflag:s28] =	ssyncset.done $0x0  }
0x35: {  	s24 =	rddreg [dreg:$0x7];
	[sflag:s28] =	ssyncadd.s32 $0xFFFFD800  }
0x36: {  	[spmem:s24] =	stream.linear.scatter [tilespmem:s26], [sflag:$0x7], $0x2800, $0x38;
	[tilespmem:$0x1E200] =	vst v63  }
0x37: {  	_ =	swait.ge [sflag:s28], $0x2800  }
0x38: {  	[sflag:s28] =	ssyncset.done $0x0  }
0x39: {  	s25 =	rddreg [dreg:$0x8];
	[sflag:s28] =	ssyncadd.s32 $0xFFFFD800  }
0x3a: {  	[spmem:s25] =	stream.linear.scatter [tilespmem:s26], [sflag:$0x7], $0x2800, $0x38;
	[tilespmem:$0x1E200] =	vst v63  }
0x3b: {  	_ =	swait.ge [sflag:s28], $0x2800  }
0x3c: {  	[sflag:s28] =	ssyncset.done $0x0  }
0x3d: {  	s19 =	rddreg [dreg:$0x9];
	[sflag:s28] =	ssyncadd.s32 $0xFFFFD800  }
0x3e: {  	[spmem:s19] =	stream.linear.scatter [tilespmem:s26], [sflag:$0x7], $0x2800, $0x38;
	[tilespmem:$0x1E200] =	vst v63  }
0x3f: {  	_ =	swait.ge [sflag:s28], $0x2800  }
0x40: {  	[sflag:s28] =	ssyncset.done $0x0  }
0x41: {  	s20 =	rddreg [dreg:$0xa];
	[sflag:s28] =	ssyncadd.s32 $0xFFFFD800  }
0x42: {  	[spmem:s20] =	stream.linear.scatter [tilespmem:s26], [sflag:$0x7], $0x2800, $0x38;
	[tilespmem:$0x1E200] =	vst v63  }
0x43: {  	_ =	swait.ge [sflag:s28], $0x2800  }
0x44: {  	[sflag:s28] =	ssyncset.done $0x0  }
0x45: {  	s21 =	rddreg [dreg:$0xb];
	[sflag:s28] =	ssyncadd.s32 $0xFFFFD800  }
0x46: {  	[spmem:s21] =	stream.linear.scatter [tilespmem:s26], [sflag:$0x7], $0x2800, $0x38;
	[tilespmem:$0x1E200] =	vst v63  }
0x47: {  	_ =	swait.ge [sflag:s28], $0x2800  }
0x48: {  	[sflag:s28] =	ssyncset.done $0x0  }
0x49: {  	s24 =	rddreg [dreg:$0xc];
	[sflag:s28] =	ssyncadd.s32 $0xFFFFD800  }
0x4a: {  	[spmem:s24] =	stream.linear.scatter [tilespmem:s26], [sflag:$0x7], $0x2800, $0x38;
	[tilespmem:$0x1E200] =	vst v63  }
0x4b: {  	_ =	swait.ge [sflag:s28], $0x2800  }
0x4c: {  	[sflag:s28] =	ssyncset.done $0x0  }
0x4d: {  	[sflag:s28] =	ssyncadd.s32 $0xFFFFD800  }
0x4e: {  	[bflag:$0x0] =	sbarrier.arrive $0xFFFF  }
0x4f: {  	s19 =	simm.s32 $0x0;
	s25 =	rddreg [dreg:$0xd]  }
0x50: {  	[tilespmem:s19], [sflag:$0x5] =	stream.linear.gather [hbm4b:s25+s19], $0x50, $0x38;
	[tilespmem:$0x1E200] =	vst v63  }
0x51: {  	s20 =	rddreg [dreg:$0xe]  }
0x52: {  	[tilespmem:s29], [sflag:$0x5] =	stream.linear.gather [hbm4b:s20+s19], $0x50, $0x38;
	[tilespmem:$0x1E200] =	vst v63  }
0x53: {  	_ =	swait.ge [sflag:s30], $0x50  }
0x54: {  	[sflag:s30] =	ssyncset.done $0x0  }
0x55: {  	[sflag:s30] =	ssyncadd.s32 $0xFFFFFFB0  }
0x56: {  	_ =	swait.ge [sflag:s30], $0x50  }
0x57: {  	[sflag:s30] =	ssyncset.done $0x0  }
0x58: {  	s21 =	rddreg [dreg:$0xf];
	[sflag:s30] =	ssyncadd.s32 $0xFFFFFFB0  }
0x59: {  	[tilespmem:s26], [sflag:$0x1] =	stream.linear.gather [hbm4b:s21+s19], $0x2800, $0x38;
	[tilespmem:$0x1E200] =	vst v63  }
0x5a: {  	_ = 	snop  }
0x5b: {  	[tilespmem:s1], [sflag:$0x3] =	stream.indirect.gather [hbm4b:s0+s31], $0x80, s19, s31, $0xb8;
	[tilespmem:$0x1E200] =	vst v63  }
0x5c: {  	s24 =	rddreg [dreg:$0x10]  }
0x5d: {  	[tilespmem:s2], [sflag:$0x6] =	stream.linear.gather [hbm4b:s24+s19], $0x50, $0x38;
	[tilespmem:$0x1E200] =	vst v63  }
0x5e: {  	s20 =	simm.s32 $0x0;
	s25 =	rddreg [dreg:$0x11]  }
0x5f: {  	[tilespmem:s9], [sflag:$0x6] =	stream.linear.gather [hbm4b:s25+s19], $0x50, $0x38;
	[tilespmem:$0x1E200] =	vst v63  }
.LBB2_4:
0x60: {  	_ =	swait.ge [sflag:s10], $0x50  }
0x61: {  	s21 =	smul.u32 $0xA0, s20;
	[sflag:s10] =	ssyncset.done $0x0  }
0x62: {  	[sflag:s10] =	ssyncadd.s32 $0xFFFFFFB0  }
0x63: {  	s24 =	sadd.s32 s21, s16;
	_ =	swait.ge [sflag:s10], $0x50  }
0x64: {  	s24 =	sshll.u32 s24, $0x4;
	[sflag:s10] =	ssyncset.done $0x0  }
0x65: {  	s24 =	sadd.s32 s7, s24;
	[sflag:s10] =	ssyncadd.s32 $0xFFFFFFB0  }
0x66: {  	[tilespmem:s11], [sflag:$0x2] =	stream.linear.gather [hbm4b:s24+s19], $0x2800, $0x38;
	[tilespmem:$0x1E200] =	vst v63  }
0x67: {  	_ = 	snop  }
0x68: {  	[tilespmem:s12], [sflag:$0x4] =	stream.indirect.gather [hbm4b:s0+s31], $0x80, s2, s31, $0xb8;
	[tilespmem:$0x1E200] =	vst v63  }
0x69: {  	_ =	swait.ge [sflag:s13], $0x2800  }
0x6a: {  	[sflag:s13] =	ssyncset.done $0x0  }
0x6b: {  	[sflag:s13] =	ssyncadd.s32 $0xFFFFD800  }
0x6c: {  	_ =	swait.ge [sflag:s14], $0x2800  }
0x6d: {  	[sflag:s14] =	ssyncset.done $0x0  }
0x6e: {  	s24 =	simm.s32 $0x0;
	[sflag:s14] =	ssyncadd.s32 $0xFFFFD800  }
0x6f: {  	v7 =	vld [tilespmem:s24+$0x5200]  }
0x70: {  	v12 =	vld [tilespmem:s24+$0x5210]  }
0x71: {  	v6 =	vld [tilespmem:s24+$0x5220]  }
0x72: {  	v5 =	vld [tilespmem:s24+$0x5230]  }
0x73: {  	v4 =	vld [tilespmem:s24+$0x5240]  }
0x74: {  	v3 =	vld [tilespmem:s24+$0x5250]  }
0x75: {  	v2 =	vld [tilespmem:s24+$0x5260]  }
0x76: {  	v1 =	vld [tilespmem:s24+$0x5270]  }
0x77: {  	v13 =	vld [tilespmem:s24+$0x200]  }
0x78: {  	v14 =	vld [tilespmem:s24+$0x210]  }
0x79: {  	v11 =	vld [tilespmem:s24+$0x220]  }
0x7a: {  	v10 =	vld [tilespmem:s24+$0x230]  }
0x7b: {  	v9 =	vld [tilespmem:s24+$0x240]  }
0x7c: {  	v8 =	vld [tilespmem:s24+$0x250];
	v13 =	vadd.f32 v7, v13  }
0x7d: {  	s25 =	simm.s32 $0x200;
	v12 =	vadd.f32 v12, v14;
	v7 =	vld [tilespmem:s24+$0x260]  }
.LBB2_5:
0x7e: {  	s8 =	sshra.s32 s25, $0x2;
	p0 =	sne.s32 s25, $0x9E00;
	v13 =	vmax.f32 v13, $0.0e+00;
	v6 =	vadd.f32 v6, v11;
	v11 =	vld [tilespmem:s24+$0x270]  }
0x7f: {  	v14 =	vld [tilespmem:s8+$0x5200];
	[tilespmem:s24+$0x200] =	vst v13;
	v12 =	vmax.f32 v12, $0.0e+00;
	v5 =	vadd.f32 v5, v10  }
0x80: {  	v15 =	vld [tilespmem:s8+$0x5210];
	[tilespmem:s24+$0x210] =	vst v12;
	v10 =	vmax.f32 v6, $0.0e+00;
	v4 =	vadd.f32 v4, v9  }
0x81: {  	v6 =	vld [tilespmem:s8+$0x5220];
	[tilespmem:s24+$0x220] =	vst v10;
	v9 =	vmax.f32 v5, $0.0e+00;
	v3 =	vadd.f32 v3, v8  }
0x82: {  	v5 =	vld [tilespmem:s8+$0x5230];
	[tilespmem:s24+$0x230] =	vst v9;
	v8 =	vmax.f32 v4, $0.0e+00;
	v2 =	vadd.f32 v2, v7  }
0x83: {  	v4 =	vld [tilespmem:s8+$0x5240];
	[tilespmem:s24+$0x240] =	vst v8;
	v7 =	vmax.f32 v3, $0.0e+00;
	v1 =	vadd.f32 v1, v11  }
0x84: {  	v3 =	vld [tilespmem:s8+$0x5250];
	[tilespmem:s24+$0x250] =	vst v7;
	v7 =	vmax.f32 v2, $0.0e+00  }
0x85: {  	v2 =	vld [tilespmem:s8+$0x5260];
	[tilespmem:s24+$0x260] =	vst v7;
	v7 =	vmax.f32 v1, $0.0e+00  }
0x86: {  	v1 =	vld [tilespmem:s8+$0x5270];
	[tilespmem:s24+$0x270] =	vst v7;
	s24 =	smov.u32 s8  }
0x87: {  	v7 =	vld [tilespmem:s24+$0x200]  }
0x88: {  	v12 =	vld [tilespmem:s24+$0x210]  }
.Ltmp1:
0x89: {  	v11 =	vld [tilespmem:s24+$0x220];
	(pc) =	sbr.rel @p0 .LBB2_5-.Ltmp1, $4  }
0x8a: {  	v10 =	vld [tilespmem:s24+$0x230]  }
0x8b: {  	v9 =	vld [tilespmem:s24+$0x240]  }
0x8c: {  	v13 =	vadd.f32 v14, v7;
	v8 =	vld [tilespmem:s24+$0x250]  }
0x8d: {  	s25 =	sadd.s32 $0x200, s25;
	v12 =	vadd.f32 v15, v12;
	v7 =	vld [tilespmem:s24+$0x260]  }
0x8e: {  	v13 =	vmax.f32 v13, $0.0e+00;
	v6 =	vadd.f32 v6, v11;
	v11 =	vld [tilespmem:s24+$0x270]  }
0x8f: {  	[tilespmem:s24+$0x200] =	vst v13;
	v12 =	vmax.f32 v12, $0.0e+00;
	v5 =	vadd.f32 v5, v10  }
0x90: {  	[tilespmem:s24+$0x210] =	vst v12;
	v6 =	vmax.f32 v6, $0.0e+00;
	v4 =	vadd.f32 v4, v9  }
0x91: {  	[tilespmem:s24+$0x220] =	vst v6;
	v5 =	vmax.f32 v5, $0.0e+00;
	v3 =	vadd.f32 v3, v8  }
0x92: {  	[tilespmem:s24+$0x230] =	vst v5;
	v4 =	vmax.f32 v4, $0.0e+00;
	v2 =	vadd.f32 v2, v7  }
0x93: {  	[tilespmem:s24+$0x240] =	vst v4;
	v3 =	vmax.f32 v3, $0.0e+00;
	v1 =	vadd.f32 v1, v11  }
0x94: {  	[tilespmem:s24+$0x250] =	vst v3;
	v2 =	vmax.f32 v2, $0.0e+00  }
0x95: {  	[tilespmem:s24+$0x260] =	vst v2;
	v1 =	vmax.f32 v1, $0.0e+00  }
0x96: {  	[tilespmem:s24+$0x270] =	vst v1  }
0x97: {  	[spmem:s4] =	stream.indirect.scatter.add.f32 [tilespmem:s26], [sflag:$0x7], $0x80, s29, s31, $0xb8;
	[tilespmem:$0x1E200] =	vst v63  }
0x98: {  	s8 =	sadd.s32 s21, s22;
	_ =	swait.ge [sflag:s28], $0x2800  }
0x99: {  	s21 =	sshrl.u32 s8, $0x3;
	[sflag:s28] =	ssyncset.done $0x0  }
0x9a: {  	s25 =	simm.s32 $0x0;
	s24 =	sadd.s32 s6, s21;
	[sflag:s28] =	ssyncadd.s32 $0xFFFFD800  }
0x9b: {  	[tilespmem:s25], [sflag:$0x5] =	stream.linear.gather [hbm4b:s24+s25], $0x50, $0x38;
	[tilespmem:$0x1E200] =	vst v63  }
0x9c: {  	s21 =	sadd.s32 s3, s21  }
0x9d: {  	[tilespmem:s29], [sflag:$0x5] =	stream.linear.gather [hbm4b:s21+s25], $0x50, $0x38;
	[tilespmem:$0x1E200] =	vst v63  }
0x9e: {  	_ =	swait.ge [sflag:s30], $0x50  }
0x9f: {  	[sflag:s30] =	ssyncset.done $0x0  }
0xa0: {  	[sflag:s30] =	ssyncadd.s32 $0xFFFFFFB0  }
0xa1: {  	_ =	swait.ge [sflag:s30], $0x50  }
0xa2: {  	s8 =	sshll.u32 s8, $0x4;
	[sflag:s30] =	ssyncset.done $0x0  }
0xa3: {  	s8 =	sadd.s32 s7, s8;
	[sflag:s30] =	ssyncadd.s32 $0xFFFFFFB0  }
0xa4: {  	[tilespmem:s26], [sflag:$0x1] =	stream.linear.gather [hbm4b:s8+s25], $0x2800, $0x38;
	[tilespmem:$0x1E200] =	vst v63  }
0xa5: {  	_ = 	snop  }
0xa6: {  	[tilespmem:s1], [sflag:$0x3] =	stream.indirect.gather [hbm4b:s0+s31], $0x80, s25, s31, $0xb8;
	[tilespmem:$0x1E200] =	vst v63  }
0xa7: {  	_ =	swait.ge [sflag:s15], $0x2800  }
0xa8: {  	[sflag:s15] =	ssyncset.done $0x0  }
0xa9: {  	[sflag:s15] =	ssyncadd.s32 $0xFFFFD800  }
0xaa: {  	_ =	swait.ge [sflag:s17], $0x2800  }
0xab: {  	[sflag:s17] =	ssyncset.done $0x0  }
0xac: {  	s21 =	simm.s32 $0x0;
	[sflag:s17] =	ssyncadd.s32 $0xFFFFD800  }
0xad: {  	v7 =	vld [tilespmem:s21+$0x7A00]  }
0xae: {  	v12 =	vld [tilespmem:s21+$0x7A10]  }
0xaf: {  	v6 =	vld [tilespmem:s21+$0x7A20]  }
0xb0: {  	v5 =	vld [tilespmem:s21+$0x7A30]  }
0xb1: {  	v4 =	vld [tilespmem:s21+$0x7A40]  }
0xb2: {  	v3 =	vld [tilespmem:s21+$0x7A50]  }
0xb3: {  	v2 =	vld [tilespmem:s21+$0x7A60]  }
0xb4: {  	v1 =	vld [tilespmem:s21+$0x7A70]  }
0xb5: {  	v13 =	vld [tilespmem:s21+$0x2A00]  }
0xb6: {  	v14 =	vld [tilespmem:s21+$0x2A10]  }
0xb7: {  	v11 =	vld [tilespmem:s21+$0x2A20]  }
0xb8: {  	v10 =	vld [tilespmem:s21+$0x2A30]  }
0xb9: {  	v9 =	vld [tilespmem:s21+$0x2A40]  }
0xba: {  	v8 =	vld [tilespmem:s21+$0x2A50];
	v13 =	vadd.f32 v7, v13  }
0xbb: {  	s24 =	simm.s32 $0x200;
	v12 =	vadd.f32 v12, v14;
	v7 =	vld [tilespmem:s21+$0x2A60]  }
.LBB2_7:
0xbc: {  	s8 =	sshra.s32 s24, $0x2;
	p0 =	sne.s32 s24, $0x9E00;
	v13 =	vmax.f32 v13, $0.0e+00;
	v6 =	vadd.f32 v6, v11;
	v11 =	vld [tilespmem:s21+$0x2A70]  }
0xbd: {  	v14 =	vld [tilespmem:s8+$0x7A00];
	[tilespmem:s21+$0x2A00] =	vst v13;
	v12 =	vmax.f32 v12, $0.0e+00;
	v5 =	vadd.f32 v5, v10  }
0xbe: {  	v15 =	vld [tilespmem:s8+$0x7A10];
	[tilespmem:s21+$0x2A10] =	vst v12;
	v10 =	vmax.f32 v6, $0.0e+00;
	v4 =	vadd.f32 v4, v9  }
0xbf: {  	v6 =	vld [tilespmem:s8+$0x7A20];
	[tilespmem:s21+$0x2A20] =	vst v10;
	v9 =	vmax.f32 v5, $0.0e+00;
	v3 =	vadd.f32 v3, v8  }
0xc0: {  	v5 =	vld [tilespmem:s8+$0x7A30];
	[tilespmem:s21+$0x2A30] =	vst v9;
	v8 =	vmax.f32 v4, $0.0e+00;
	v2 =	vadd.f32 v2, v7  }
0xc1: {  	v4 =	vld [tilespmem:s8+$0x7A40];
	[tilespmem:s21+$0x2A40] =	vst v8;
	v7 =	vmax.f32 v3, $0.0e+00;
	v1 =	vadd.f32 v1, v11  }
0xc2: {  	v3 =	vld [tilespmem:s8+$0x7A50];
	[tilespmem:s21+$0x2A50] =	vst v7;
	v7 =	vmax.f32 v2, $0.0e+00  }
0xc3: {  	v2 =	vld [tilespmem:s8+$0x7A60];
	[tilespmem:s21+$0x2A60] =	vst v7;
	v7 =	vmax.f32 v1, $0.0e+00  }
0xc4: {  	v1 =	vld [tilespmem:s8+$0x7A70];
	[tilespmem:s21+$0x2A70] =	vst v7;
	s21 =	smov.u32 s8  }
0xc5: {  	v7 =	vld [tilespmem:s21+$0x2A00]  }
0xc6: {  	v12 =	vld [tilespmem:s21+$0x2A10]  }
.Ltmp2:
0xc7: {  	v11 =	vld [tilespmem:s21+$0x2A20];
	(pc) =	sbr.rel @p0 .LBB2_7-.Ltmp2, $4  }
0xc8: {  	v10 =	vld [tilespmem:s21+$0x2A30]  }
0xc9: {  	v9 =	vld [tilespmem:s21+$0x2A40]  }
0xca: {  	v13 =	vadd.f32 v14, v7;
	v8 =	vld [tilespmem:s21+$0x2A50]  }
0xcb: {  	s24 =	sadd.s32 $0x200, s24;
	v12 =	vadd.f32 v15, v12;
	v7 =	vld [tilespmem:s21+$0x2A60]  }
0xcc: {  	v13 =	vmax.f32 v13, $0.0e+00;
	v6 =	vadd.f32 v6, v11;
	v63 =	vld [tilespmem:s21+$0x2A70]  }
0xcd: {  	[tilespmem:s21+$0x2A00] =	vst v13;
	v12 =	vmax.f32 v12, $0.0e+00;
	v5 =	vadd.f32 v5, v10  }
0xce: {  	[tilespmem:s21+$0x2A10] =	vst v12;
	v6 =	vmax.f32 v6, $0.0e+00;
	v4 =	vadd.f32 v4, v9  }
0xcf: {  	[tilespmem:s21+$0x2A20] =	vst v6;
	v5 =	vmax.f32 v5, $0.0e+00;
	v3 =	vadd.f32 v3, v8  }
0xd0: {  	[tilespmem:s21+$0x2A30] =	vst v5;
	v4 =	vmax.f32 v4, $0.0e+00;
	v2 =	vadd.f32 v2, v7  }
0xd1: {  	[tilespmem:s21+$0x2A40] =	vst v4;
	v3 =	vmax.f32 v3, $0.0e+00;
	v1 =	vadd.f32 v1, v63  }
0xd2: {  	s8 =	sshll.u32 s20, $0x1;
	[tilespmem:s21+$0x2A50] =	vst v3;
	v2 =	vmax.f32 v2, $0.0e+00  }
0xd3: {  	s8 =	smin.u32 s8, $0x79;
	[tilespmem:s21+$0x2A60] =	vst v2;
	v1 =	vmax.f32 v1, $0.0e+00  }
0xd4: {  	s20 =	sadd.s32 $0x1, s20;
	s8 =	smul.u32 $0x50, s8;
	[tilespmem:s21+$0x2A70] =	vst v1  }
0xd5: {  	[spmem:s4] =	stream.indirect.scatter.add.f32 [tilespmem:s11], [sflag:$0x7], $0x80, s9, s31, $0xb8;
	[tilespmem:$0x1E200] =	vst v63  }
0xd6: {  	p0 =	sne.s32 s20, $0x3E;
	s8 =	sadd.s32 s8, s23;
	_ =	swait.ge [sflag:s28], $0x2800  }
.Ltmp3:
0xd7: {  	s8 =	sshrl.u32 s8, $0x3;
	[sflag:s28] =	ssyncset.done $0x0;
	(pc) =	sbr.rel @p0 .LBB2_4-.Ltmp3, $4  }
0xd8: {  	s25 =	sadd.s32 s6, s8;
	[sflag:s28] =	ssyncadd.s32 $0xFFFFD800  }
0xd9: {  	[tilespmem:s2], [sflag:$0x6] =	stream.linear.gather [hbm4b:s25+s5], $0x50, $0x38;
	[tilespmem:$0x1E200] =	vst v63  }
0xda: {  	s8 =	sadd.s32 s3, s8  }
0xdb: {  	[tilespmem:s9], [sflag:$0x6] =	stream.linear.gather [hbm4b:s8+s5], $0x50, $0x38;
	[tilespmem:$0x1E200] =	vst v63  }
0xdc: {  	_ =	swait.ge [sflag:s13], $0x2800  }
0xdd: {  	[sflag:s13] =	ssyncset.done $0x0  }
0xde: {  	[sflag:s13] =	ssyncadd.s32 $0xFFFFD800  }
0xdf: {  	_ =	swait.ge [sflag:s14], $0x2800  }
0xe0: {  	[sflag:s14] =	ssyncset.done $0x0  }
0xe1: {  	s19 =	simm.s32 $0x0;
	[sflag:s14] =	ssyncadd.s32 $0xFFFFD800  }
0xe2: {  	v7 =	vld [tilespmem:s19+$0x5200]  }
0xe3: {  	v12 =	vld [tilespmem:s19+$0x5210]  }
0xe4: {  	v6 =	vld [tilespmem:s19+$0x5220]  }
0xe5: {  	v5 =	vld [tilespmem:s19+$0x5230]  }
0xe6: {  	v4 =	vld [tilespmem:s19+$0x5240]  }
0xe7: {  	v3 =	vld [tilespmem:s19+$0x5250]  }
0xe8: {  	v2 =	vld [tilespmem:s19+$0x5260]  }
0xe9: {  	v1 =	vld [tilespmem:s19+$0x5270]  }
0xea: {  	v13 =	vld [tilespmem:s19+$0x200]  }
0xeb: {  	v14 =	vld [tilespmem:s19+$0x210]  }
0xec: {  	v11 =	vld [tilespmem:s19+$0x220]  }
0xed: {  	v10 =	vld [tilespmem:s19+$0x230]  }
0xee: {  	v9 =	vld [tilespmem:s19+$0x240]  }
0xef: {  	v8 =	vld [tilespmem:s19+$0x250];
	v13 =	vadd.f32 v7, v13  }
0xf0: {  	s20 =	simm.s32 $0x200;
	v12 =	vadd.f32 v12, v14;
	v7 =	vld [tilespmem:s19+$0x260]  }
.LBB2_10:
0xf1: {  	s8 =	sshra.s32 s20, $0x2;
	p0 =	sne.s32 s20, $0x9E00;
	v13 =	vmax.f32 v13, $0.0e+00;
	v6 =	vadd.f32 v6, v11;
	v11 =	vld [tilespmem:s19+$0x270]  }
0xf2: {  	v14 =	vld [tilespmem:s8+$0x5200];
	[tilespmem:s19+$0x200] =	vst v13;
	v12 =	vmax.f32 v12, $0.0e+00;
	v5 =	vadd.f32 v5, v10  }
0xf3: {  	v15 =	vld [tilespmem:s8+$0x5210];
	[tilespmem:s19+$0x210] =	vst v12;
	v10 =	vmax.f32 v6, $0.0e+00;
	v4 =	vadd.f32 v4, v9  }
0xf4: {  	v6 =	vld [tilespmem:s8+$0x5220];
	[tilespmem:s19+$0x220] =	vst v10;
	v9 =	vmax.f32 v5, $0.0e+00;
	v3 =	vadd.f32 v3, v8  }
0xf5: {  	v5 =	vld [tilespmem:s8+$0x5230];
	[tilespmem:s19+$0x230] =	vst v9;
	v8 =	vmax.f32 v4, $0.0e+00;
	v2 =	vadd.f32 v2, v7  }
0xf6: {  	v4 =	vld [tilespmem:s8+$0x5240];
	[tilespmem:s19+$0x240] =	vst v8;
	v7 =	vmax.f32 v3, $0.0e+00;
	v1 =	vadd.f32 v1, v11  }
0xf7: {  	v3 =	vld [tilespmem:s8+$0x5250];
	[tilespmem:s19+$0x250] =	vst v7;
	v7 =	vmax.f32 v2, $0.0e+00  }
0xf8: {  	v2 =	vld [tilespmem:s8+$0x5260];
	[tilespmem:s19+$0x260] =	vst v7;
	v7 =	vmax.f32 v1, $0.0e+00  }
0xf9: {  	v1 =	vld [tilespmem:s8+$0x5270];
	[tilespmem:s19+$0x270] =	vst v7;
	s19 =	smov.u32 s8  }
0xfa: {  	v7 =	vld [tilespmem:s19+$0x200]  }
0xfb: {  	v12 =	vld [tilespmem:s19+$0x210]  }
.Ltmp4:
0xfc: {  	v11 =	vld [tilespmem:s19+$0x220];
	(pc) =	sbr.rel @p0 .LBB2_10-.Ltmp4, $4  }
0xfd: {  	v10 =	vld [tilespmem:s19+$0x230]  }
0xfe: {  	v9 =	vld [tilespmem:s19+$0x240]  }
0xff: {  	v13 =	vadd.f32 v14, v7;
	v8 =	vld [tilespmem:s19+$0x250]  }
0x100: {  	s20 =	sadd.s32 $0x200, s20;
	v12 =	vadd.f32 v15, v12;
	v7 =	vld [tilespmem:s19+$0x260]  }
0x101: {  	v13 =	vmax.f32 v13, $0.0e+00;
	v6 =	vadd.f32 v6, v11;
	v63 =	vld [tilespmem:s19+$0x270]  }
0x102: {  	[tilespmem:s19+$0x200] =	vst v13;
	v12 =	vmax.f32 v12, $0.0e+00;
	v5 =	vadd.f32 v5, v10  }
0x103: {  	[tilespmem:s19+$0x210] =	vst v12;
	v6 =	vmax.f32 v6, $0.0e+00;
	v4 =	vadd.f32 v4, v9  }
0x104: {  	[tilespmem:s19+$0x220] =	vst v6;
	v5 =	vmax.f32 v5, $0.0e+00;
	v3 =	vadd.f32 v3, v8  }
0x105: {  	[tilespmem:s19+$0x230] =	vst v5;
	v4 =	vmax.f32 v4, $0.0e+00;
	v2 =	vadd.f32 v2, v7  }
0x106: {  	[tilespmem:s19+$0x240] =	vst v4;
	v3 =	vmax.f32 v3, $0.0e+00;
	v1 =	vadd.f32 v1, v63  }
0x107: {  	[tilespmem:s19+$0x250] =	vst v3;
	v2 =	vmax.f32 v2, $0.0e+00  }
0x108: {  	[tilespmem:s19+$0x260] =	vst v2;
	v1 =	vmax.f32 v1, $0.0e+00  }
0x109: {  	[tilespmem:s19+$0x270] =	vst v1  }
0x10a: {  	[spmem:s4] =	stream.indirect.scatter.add.f32 [tilespmem:s26], [sflag:$0x7], $0x80, s29, s31, $0xb8;
	[tilespmem:$0x1E200] =	vst v63  }
0x10b: {  	_ =	swait.ge [sflag:s28], $0x2800  }
0x10c: {  	[sflag:s28] =	ssyncset.done $0x0  }
0x10d: {  	[sflag:s28] =	ssyncadd.s32 $0xFFFFD800  }
0x10e: {  	_ =	swait.ge [sflag:s10], $0x50  }
0x10f: {  	[sflag:s10] =	ssyncset.done $0x0  }
0x110: {  	[sflag:s10] =	ssyncadd.s32 $0xFFFFFFB0  }
0x111: {  	_ =	swait.ge [sflag:s10], $0x50  }
0x112: {  	[sflag:s10] =	ssyncset.done $0x0  }
0x113: {  	[sflag:s10] =	ssyncadd.s32 $0xFFFFFFB0  }
0x114: {  	s8 =	stileid.u32;
	[bflag:$0x0] =	sbarrier.arrive $0xFFFF  }
0x115: {  	s8 =	sshll.u32 s8, $0x6;
	s21 =	rddreg [dreg:$0x5]  }
0x116: {  	s8 =	sor.u32 $0x1C07, s8;
	s20 =	rddreg [dreg:$0x12];
	s24 =	sshrl.u32 s21, $0x3  }
0x117: {  	[hbm:s20], [sflag:s8] =	dma.local [spmem:s24], $0x2800  }
0x118: {  	_ =	swait.ge [sflag:s28], $0x2800  }
0x119: {  	s18 =	sadd.s32 $0x1, s18;
	s25 =	rddreg [dreg:$0x13]  }
0x11a: {  	p0 =	sne.s32 s18, s25  }
.Ltmp5:
0x11b: {  	_ = 	snop;
	(pc) =	sbr.rel @p0 .LBB2_1-.Ltmp5, $3  }
0x11c: {  	_ =	sdelay $0x1  }
0x11d: {  	[sflag:s28] =	ssyncset.done $0x0  }
0x11e: {  	[sflag:s28] =	ssyncadd.s32 $0xFFFFD800  }
0x11f: {  	_ =	sfence.sel $0x180000  }
0x120: {  	[bflag:$0x0] =	sbarrier.arrive $0xFFFF  }
0x121: {  	_ =	strace $0x90000047  }
0x122: {  	s0 =	stileid.u32;
	[bflag:$0x2] =	sbarrier.arrive $0xFFFF  }
0x123: {  	p0 =	sne.s32 s0, $0x0;
	s0 =	rddreg [dreg:$0x4]  }
0x124: {  	s0 =	sadd.s32 @!p0 $0x100000, s0  }
0x125: {  	[sflag:s0] =	ssyncadd.tile.s32 @!p0 $0x1;
	_ =	shalt  }
.Lfunc_end2:
_tile_overlayer_lowered:
.L_overlay_start_2:
0x126: {  	(tag) =	ssettag $0x2  }
0x127: {  	s0 =	rddreg [dreg:$0x0];
	s2 =	stileid.u32  }
0x128: {  	s1 =	rddreg [dreg:$0x1];
	p0 =	sne.s32 s2, $0x0  }
0x129: {  	s3 =	rddreg [dreg:$0x2];
	[bflag:$0x3] =	sbarrier.arrive $0xFFFF;
	s2 =	simm.s32 @!p0 $0x1C07  }
0x12a: {  	[timem:s3], [sflag:s2] =	dma.local @!p0 [hbm:s0], s1  }
0x12b: {  	s0 =	simm.s32 @!p0 $0x7  }
0x12c: {  	_ =	swait.ge @!p0 [sflag:s0], s1  }
0x12d: {  	s1 =	ssub.s32 @!p0 $0x0, s1;
	[sflag:s0] =	ssyncset.done @!p0 $0x0  }
0x12e: {  	[sflag:s0] =	ssyncadd.s32 @!p0 s1  }
0x12f: {  	[bflag:$0x3] =	sbarrier.arrive $0xFFFF  }
0x130: {  	_ =	shalt  }

</sc_bundles>
